<compile_context>
chip_gen: v7x
topology: tpu7x:2x2x1
jax: 0.10.2.dev20260603
libtpu: 0.0.44.dev20260713+nightly
codegen_flags: <defaults>
</compile_context>

<pallas_src>
import jax
import jax.numpy as jnp
from jax import lax
from jax.experimental import pallas as pl
from jax.experimental.pallas import tpu as pltpu
from jax.experimental.pallas import tpu_sc as plsc

D = 64
SCALE = float(D) ** 0.5
NC = 2
NS = 16
NW = NC * NS
SPB = 128
CH = 256
NSTREAM = CH // SPB
NBUF = 4
PF = 2


def _make_kernel(B):
    n_chunks = B // CH // NW
    assert n_chunks % NBUF == 0 and n_chunks >= 2 * NBUF

    def body(idx_hbm, table_hbm, out_hbm, idx_all, *bufs):
        rows = bufs[:NBUF]
        gsem = bufs[NBUF:2 * NBUF]
        ssem = bufs[2 * NBUF:3 * NBUF]
        wid = lax.axis_index("s") * NC + lax.axis_index("c")
        base_row = wid * (n_chunks * NSTREAM)
        base = base_row * SPB

        def fire_gather(g, b):
            for j in range(NSTREAM):
                pltpu.async_copy(
                    table_hbm.at[idx_all.at[g * NSTREAM + j]],
                    rows[b].at[pl.ds(j * SPB, SPB)],
                    gsem[b],
                )

        def wait_gather(b):
            for j in range(NSTREAM):
                pltpu.make_async_copy(
                    table_hbm.at[idx_all.at[0]],
                    rows[b].at[pl.ds(j * SPB, SPB)],
                    gsem[b],
                ).wait()

        def fire_store(g, b):
            pltpu.async_copy(rows[b], out_hbm.at[pl.ds(base + g * CH, CH)],
                             ssem[b])

        def wait_store(b):
            pltpu.make_async_copy(rows[b], out_hbm.at[pl.ds(base, CH)],
                                  ssem[b]).wait()

        pltpu.sync_copy(idx_hbm.at[pl.ds(base_row, n_chunks * NSTREAM)],
                        idx_all)
        for g in range(PF):
            fire_gather(g, g)

        def ring(go, _):
            for s in range(NBUF):
                g = go + s
                b = s

                @pl.when(g >= NBUF - PF)
                def _():
                    wait_store((b + PF) % NBUF)

                @pl.when(g + PF < n_chunks)
                def _():
                    fire_gather(g + PF, (b + PF) % NBUF)

                for j in range(NSTREAM):
                    pltpu.make_async_copy(
                        table_hbm.at[idx_all.at[0]],
                        rows[b].at[pl.ds(j * SPB, SPB)],
                        gsem[b],
                    ).wait()

                    @plsc.parallel_loop(0, SPB, 1, unroll=8)
                    def _(i):
                        for k in range(D // 16):
                            sl = pl.ds(k * 16, 16)
                            r = i + j * SPB
                            rows[b][r, sl] = rows[b][r, sl] * SCALE

                fire_store(g, b)
            return ()

        lax.fori_loop(0, n_chunks // NBUF, lambda q, c: ring(q * NBUF, c), ())
        for g in range(n_chunks - PF, n_chunks):
            wait_store(g % NBUF)

    mesh = plsc.VectorSubcoreMesh(
        core_axis_name="c", subcore_axis_name="s", num_cores=NC, num_subcores=NS
    )
    return pl.kernel(
        body,
        out_type=jax.ShapeDtypeStruct((B, D), jnp.float32),
        mesh=mesh,
        scratch_types=(
            [pltpu.VMEM((B // SPB // NW, SPB), jnp.int32)]
            + [pltpu.VMEM((CH, D), jnp.float32)] * NBUF
            + [pltpu.SemaphoreType.DMA] * (2 * NBUF)
        ),
        compiler_params=pltpu.CompilerParams(use_tc_tiling_on_sc=False),
    )


def kernel(x, embedding_weight):
    B = x.shape[0] * x.shape[1]
    idx = x.reshape(B // SPB, SPB).astype(jnp.int32)
    out = _make_kernel(B)(idx, embedding_weight)
    return out.reshape(x.shape[0], x.shape[1], D)

# --- scband reference (transcript-rebuilt; emitter-appended) ---
"""Pipeline reference for scband-s4-embedding-69655779607225 (READ-ONLY COPY).

The authoritative reference and input builder live on the scoring server;
editing this copy changes nothing except your own understanding.
"""

import jax, jax.numpy as jnp
import numpy as np

N_TOKENS = 1000000
D_MODEL = 64
RESCALE = True


def setup_inputs(seed: int = 0) -> dict:
    key = jax.random.key(seed)
    k_idx, k_emb = jax.random.split(key)
    x = jax.random.randint(k_idx, (4096, 200), 0, N_TOKENS, dtype=jnp.int64 if jax.config.jax_enable_x64 else jnp.int32)
    embedding_weight = jax.random.normal(k_emb, (N_TOKENS, D_MODEL), dtype=jnp.float32) * (D_MODEL ** -0.5)
    return {"x": x, "embedding_weight": embedding_weight}


def reference(x, embedding_weight):
    out = jnp.take(embedding_weight, x, axis=0)
    if RESCALE:
        out = out * (D_MODEL ** 0.5)
    return out

if __name__ == "__main__":
    import jax
    _d = setup_inputs()
    print(jax.jit(kernel)(*tuple(_d.values())))

</pallas_src>

<mosaic_0001>
#map = affine_map<(d0, d1) -> (0, 0)>
module attributes {stable_mosaic.version = 14 : i64} {
  func.func @body(%arg0: i32, %arg1: i32, %arg2: memref<6400x128xi32, #tpu.memory_space<hbm>>, %arg3: memref<1000000x64xf32, #tpu.memory_space<hbm>>, %arg4: memref<819200x64xf32, #tpu.memory_space<hbm>>, %arg5: memref<200x128xi32, #tpu.memory_space<vmem>>, %arg6: memref<256x64xf32, #tpu.memory_space<vmem>>, %arg7: memref<256x64xf32, #tpu.memory_space<vmem>>, %arg8: memref<256x64xf32, #tpu.memory_space<vmem>>, %arg9: memref<256x64xf32, #tpu.memory_space<vmem>>, %arg10: memref<!tpu.dma_semaphore, #tpu.memory_space<semaphore_mem>>, %arg11: memref<!tpu.dma_semaphore, #tpu.memory_space<semaphore_mem>>, %arg12: memref<!tpu.dma_semaphore, #tpu.memory_space<semaphore_mem>>, %arg13: memref<!tpu.dma_semaphore, #tpu.memory_space<semaphore_mem>>, %arg14: memref<!tpu.dma_semaphore, #tpu.memory_space<semaphore_mem>>, %arg15: memref<!tpu.dma_semaphore, #tpu.memory_space<semaphore_mem>>, %arg16: memref<!tpu.dma_semaphore, #tpu.memory_space<semaphore_mem>>, %arg17: memref<!tpu.dma_semaphore, #tpu.memory_space<semaphore_mem>>) attributes {dimension_semantics = [#tpu.dimension_semantics<core_parallel>, #tpu.dimension_semantics<subcore_parallel>], iteration_bounds = array<i64: 2, 16>, scalar_prefetch = 0 : i64, scratch_operands = 13 : i64, tpu.core_type = #tpu.core_type<sc_vector_subcore>, window_params = [{transform_indices = #map}, {transform_indices = #map}, {transform_indices = #map}]} {
    %mul3A = arith.constant 2 : i32
    %mul3A_0 = arith.muli %arg1, %mul3A : i32
    %add3A = arith.addi %mul3A_0, %arg0 : i32
    %mul3A_1 = arith.constant 200 : i32
    %mul3A_2 = arith.muli %add3A, %mul3A_1 : i32
    %mul3A_3 = arith.constant 128 : i32
    %mul3A_4 = arith.muli %mul3A_2, %mul3A_3 : i32
    "tpu.region"() ({
      %run_scoped3A = tpu.sem_alloc : memref<!tpu.dma_semaphore, #tpu.memory_space<semaphore_mem>>
      %dma_start3A_55 = arith.constant 0 : i32
      %dma_start3A_56 = tpu.memref_slice %arg2[%mul3A_2, %dma_start3A_55] : memref<6400x128xi32, #tpu.memory_space<hbm>> -> memref<200x128xi32, #tpu.memory_space<hbm>>
      %dma_start3A_57 = arith.constant 0 : i32
      %dma_start3A_58 = tpu.memref_slice %arg2[%mul3A_2, %dma_start3A_57] : memref<6400x128xi32, #tpu.memory_space<hbm>> -> memref<200x128xi32, #tpu.memory_space<hbm>>
      tpu.enqueue_dma source(%dma_start3A_58 : memref<200x128xi32, #tpu.memory_space<hbm>>) target(%arg5 : memref<200x128xi32, #tpu.memory_space<vmem>>) target_semaphore(%run_scoped3A : memref<!tpu.dma_semaphore, #tpu.memory_space<semaphore_mem>>)
      %dma_wait3A_59 = arith.constant 0 : i32
      %dma_wait3A_60 = tpu.memref_slice %arg2[%mul3A_2, %dma_wait3A_59] : memref<6400x128xi32, #tpu.memory_space<hbm>> -> memref<200x128xi32, #tpu.memory_space<hbm>>
      %dma_wait3A_61 = arith.constant 0 : i32
      %dma_wait3A_62 = tpu.memref_slice %arg2[%mul3A_2, %dma_wait3A_61] : memref<6400x128xi32, #tpu.memory_space<hbm>> -> memref<200x128xi32, #tpu.memory_space<hbm>>
      tpu.wait_dma2 semaphore(%run_scoped3A : memref<!tpu.dma_semaphore, #tpu.memory_space<semaphore_mem>>) src(%dma_wait3A_62 : memref<200x128xi32, #tpu.memory_space<hbm>>) dst(%arg5 : memref<200x128xi32, #tpu.memory_space<vmem>>)
      tpu.yield
    }) : () -> ()
    %dma_start3A = arith.constant 0 : i32
    %dma_start3A_5 = arith.constant 0 : i32
    %dma_start3A_6 = arith.constant 0 : i32
    %dma_start3A_7 = tpu.memref_slice %arg6[%dma_start3A_5, %dma_start3A_6] : memref<256x64xf32, #tpu.memory_space<vmem>> -> memref<128x64xf32, #tpu.memory_space<vmem>>
    %dma_start3A_8 = arith.constant 0 : i32
    %dma_start3A_9 = tpu.memref_slice %arg5[%dma_start3A, %dma_start3A_8] : memref<200x128xi32, #tpu.memory_space<vmem>> -> memref<1x128xi32, #tpu.memory_space<vmem>>
    %dma_start3A_10 = tpu.memref_squeeze %dma_start3A_9 : memref<1x128xi32, #tpu.memory_space<vmem>> -> memref<128xi32, #tpu.memory_space<vmem>>
    %dma_start3A_11 = arith.constant 0 : i32
    %dma_start3A_12 = arith.constant 0 : i32
    %dma_start3A_13 = tpu.memref_slice %arg3[%dma_start3A_11, %dma_start3A_12] : memref<1000000x64xf32, #tpu.memory_space<hbm>> -> memref<1000000x64xf32, #tpu.memory_space<hbm>>
    tpu.enqueue_indirect_dma source(%dma_start3A_13 : memref<1000000x64xf32, #tpu.memory_space<hbm>>) target(%dma_start3A_7 : memref<128x64xf32, #tpu.memory_space<vmem>>) offsets(%dma_start3A_10 : memref<128xi32, #tpu.memory_space<vmem>>) semaphore(%arg10 : memref<!tpu.dma_semaphore, #tpu.memory_space<semaphore_mem>>)
    %dma_start3A_14 = arith.constant 1 : i32
    %dma_start3A_15 = arith.constant 128 : i32
    %dma_start3A_16 = arith.constant 0 : i32
    %dma_start3A_17 = tpu.memref_slice %arg6[%dma_start3A_15, %dma_start3A_16] : memref<256x64xf32, #tpu.memory_space<vmem>> -> memref<128x64xf32, #tpu.memory_space<vmem>>
    %dma_start3A_18 = arith.constant 0 : i32
    %dma_start3A_19 = tpu.memref_slice %arg5[%dma_start3A_14, %dma_start3A_18] : memref<200x128xi32, #tpu.memory_space<vmem>> -> memref<1x128xi32, #tpu.memory_space<vmem>>
    %dma_start3A_20 = tpu.memref_squeeze %dma_start3A_19 : memref<1x128xi32, #tpu.memory_space<vmem>> -> memref<128xi32, #tpu.memory_space<vmem>>
    %dma_start3A_21 = arith.constant 0 : i32
    %dma_start3A_22 = arith.constant 0 : i32
    %dma_start3A_23 = tpu.memref_slice %arg3[%dma_start3A_21, %dma_start3A_22] : memref<1000000x64xf32, #tpu.memory_space<hbm>> -> memref<1000000x64xf32, #tpu.memory_space<hbm>>
    tpu.enqueue_indirect_dma source(%dma_start3A_23 : memref<1000000x64xf32, #tpu.memory_space<hbm>>) target(%dma_start3A_17 : memref<128x64xf32, #tpu.memory_space<vmem>>) offsets(%dma_start3A_20 : memref<128xi32, #tpu.memory_space<vmem>>) semaphore(%arg10 : memref<!tpu.dma_semaphore, #tpu.memory_space<semaphore_mem>>)
    %dma_start3A_24 = arith.constant 2 : i32
    %dma_start3A_25 = arith.constant 0 : i32
    %dma_start3A_26 = arith.constant 0 : i32
    %dma_start3A_27 = tpu.memref_slice %arg7[%dma_start3A_25, %dma_start3A_26] : memref<256x64xf32, #tpu.memory_space<vmem>> -> memref<128x64xf32, #tpu.memory_space<vmem>>
    %dma_start3A_28 = arith.constant 0 : i32
    %dma_start3A_29 = tpu.memref_slice %arg5[%dma_start3A_24, %dma_start3A_28] : memref<200x128xi32, #tpu.memory_space<vmem>> -> memref<1x128xi32, #tpu.memory_space<vmem>>
    %dma_start3A_30 = tpu.memref_squeeze %dma_start3A_29 : memref<1x128xi32, #tpu.memory_space<vmem>> -> memref<128xi32, #tpu.memory_space<vmem>>
    %dma_start3A_31 = arith.constant 0 : i32
    %dma_start3A_32 = arith.constant 0 : i32
    %dma_start3A_33 = tpu.memref_slice %arg3[%dma_start3A_31, %dma_start3A_32] : memref<1000000x64xf32, #tpu.memory_space<hbm>> -> memref<1000000x64xf32, #tpu.memory_space<hbm>>
    tpu.enqueue_indirect_dma source(%dma_start3A_33 : memref<1000000x64xf32, #tpu.memory_space<hbm>>) target(%dma_start3A_27 : memref<128x64xf32, #tpu.memory_space<vmem>>) offsets(%dma_start3A_30 : memref<128xi32, #tpu.memory_space<vmem>>) semaphore(%arg11 : memref<!tpu.dma_semaphore, #tpu.memory_space<semaphore_mem>>)
    %dma_start3A_34 = arith.constant 3 : i32
    %dma_start3A_35 = arith.constant 128 : i32
    %dma_start3A_36 = arith.constant 0 : i32
    %dma_start3A_37 = tpu.memref_slice %arg7[%dma_start3A_35, %dma_start3A_36] : memref<256x64xf32, #tpu.memory_space<vmem>> -> memref<128x64xf32, #tpu.memory_space<vmem>>
    %dma_start3A_38 = arith.constant 0 : i32
    %dma_start3A_39 = tpu.memref_slice %arg5[%dma_start3A_34, %dma_start3A_38] : memref<200x128xi32, #tpu.memory_space<vmem>> -> memref<1x128xi32, #tpu.memory_space<vmem>>
    %dma_start3A_40 = tpu.memref_squeeze %dma_start3A_39 : memref<1x128xi32, #tpu.memory_space<vmem>> -> memref<128xi32, #tpu.memory_space<vmem>>
    %dma_start3A_41 = arith.constant 0 : i32
    %dma_start3A_42 = arith.constant 0 : i32
    %dma_start3A_43 = tpu.memref_slice %arg3[%dma_start3A_41, %dma_start3A_42] : memref<1000000x64xf32, #tpu.memory_space<hbm>> -> memref<1000000x64xf32, #tpu.memory_space<hbm>>
    tpu.enqueue_indirect_dma source(%dma_start3A_43 : memref<1000000x64xf32, #tpu.memory_space<hbm>>) target(%dma_start3A_37 : memref<128x64xf32, #tpu.memory_space<vmem>>) offsets(%dma_start3A_40 : memref<128xi32, #tpu.memory_space<vmem>>) semaphore(%arg11 : memref<!tpu.dma_semaphore, #tpu.memory_space<semaphore_mem>>)
    %scan3A = arith.constant 0 : i32
    %scan3A_44 = arith.constant 25 : i32
    %scan3A_45 = arith.addi %scan3A, %scan3A_44 : i32
    %scan3A_46 = arith.constant 1 : i32
    scf.for %scan3A_55 = %scan3A to %scan3A_45 step %scan3A_46  : i32 {
      %mul3A_56 = arith.constant 4 : i32
      %mul3A_57 = arith.muli %scan3A_55, %mul3A_56 : i32
      %add3A_58 = arith.constant 0 : i32
      %add3A_59 = arith.addi %mul3A_57, %add3A_58 : i32
      %ge3A = arith.constant 2 : i32
      %ge3A_60 = arith.cmpi sge, %add3A_59, %ge3A : i32
      %convert_element_type3A = arith.extui %ge3A_60 : i1 to i32
      %cond3A = arith.constant 0 : i32
      %cond3A_61 = arith.cmpi ne, %convert_element_type3A, %cond3A : i32
      scf.if %cond3A_61 {
        %dma_wait3A_241 = arith.constant 0 : i32
        %dma_wait3A_242 = tpu.memref_slice %arg4[%mul3A_4, %dma_wait3A_241] : memref<819200x64xf32, #tpu.memory_space<hbm>> -> memref<256x64xf32, #tpu.memory_space<hbm>>
        %dma_wait3A_243 = arith.constant 0 : i32
        %dma_wait3A_244 = tpu.memref_slice %arg4[%mul3A_4, %dma_wait3A_243] : memref<819200x64xf32, #tpu.memory_space<hbm>> -> memref<256x64xf32, #tpu.memory_space<hbm>>
        tpu.wait_dma2 semaphore(%arg16 : memref<!tpu.dma_semaphore, #tpu.memory_space<semaphore_mem>>) src(%arg8 : memref<256x64xf32, #tpu.memory_space<vmem>>) dst(%dma_wait3A_244 : memref<256x64xf32, #tpu.memory_space<hbm>>)
      } else {
      }
      %add3A_62 = arith.constant 2 : i32
      %add3A_63 = arith.addi %add3A_59, %add3A_62 : i32
      %lt3A = arith.constant 100 : i32
      %lt3A_64 = arith.cmpi slt, %add3A_63, %lt3A : i32
      %convert_element_type3A_65 = arith.extui %lt3A_64 : i1 to i32
      %cond3A_66 = arith.constant 0 : i32
      %cond3A_67 = arith.cmpi ne, %convert_element_type3A_65, %cond3A_66 : i32
      scf.if %cond3A_67 {
        %add3A_241 = arith.constant 2 : i32
        %add3A_242 = arith.addi %add3A_59, %add3A_241 : i32
        %mul3A_243 = arith.constant 2 : i32
        %mul3A_244 = arith.muli %add3A_242, %mul3A_243 : i32
        %add3A_245 = arith.constant 0 : i32
        %add3A_246 = arith.addi %mul3A_244, %add3A_245 : i32
        %dma_start3A_247 = arith.constant 0 : i32
        %dma_start3A_248 = arith.constant 0 : i32
        %dma_start3A_249 = tpu.memref_slice %arg8[%dma_start3A_247, %dma_start3A_248] : memref<256x64xf32, #tpu.memory_space<vmem>> -> memref<128x64xf32, #tpu.memory_space<vmem>>
        %dma_start3A_250 = arith.constant 0 : i32
        %dma_start3A_251 = tpu.memref_slice %arg5[%add3A_246, %dma_start3A_250] : memref<200x128xi32, #tpu.memory_space<vmem>> -> memref<1x128xi32, #tpu.memory_space<vmem>>
        %dma_start3A_252 = tpu.memref_squeeze %dma_start3A_251 : memref<1x128xi32, #tpu.memory_space<vmem>> -> memref<128xi32, #tpu.memory_space<vmem>>
        %dma_start3A_253 = arith.constant 0 : i32
        %dma_start3A_254 = arith.constant 0 : i32
        %dma_start3A_255 = tpu.memref_slice %arg3[%dma_start3A_253, %dma_start3A_254] : memref<1000000x64xf32, #tpu.memory_space<hbm>> -> memref<1000000x64xf32, #tpu.memory_space<hbm>>
        tpu.enqueue_indirect_dma source(%dma_start3A_255 : memref<1000000x64xf32, #tpu.memory_space<hbm>>) target(%dma_start3A_249 : memref<128x64xf32, #tpu.memory_space<vmem>>) offsets(%dma_start3A_252 : memref<128xi32, #tpu.memory_space<vmem>>) semaphore(%arg12 : memref<!tpu.dma_semaphore, #tpu.memory_space<semaphore_mem>>)
        %mul3A_256 = arith.constant 2 : i32
        %mul3A_257 = arith.muli %add3A_242, %mul3A_256 : i32
        %add3A_258 = arith.constant 1 : i32
        %add3A_259 = arith.addi %mul3A_257, %add3A_258 : i32
        %dma_start3A_260 = arith.constant 128 : i32
        %dma_start3A_261 = arith.constant 0 : i32
        %dma_start3A_262 = tpu.memref_slice %arg8[%dma_start3A_260, %dma_start3A_261] : memref<256x64xf32, #tpu.memory_space<vmem>> -> memref<128x64xf32, #tpu.memory_space<vmem>>
        %dma_start3A_263 = arith.constant 0 : i32
        %dma_start3A_264 = tpu.memref_slice %arg5[%add3A_259, %dma_start3A_263] : memref<200x128xi32, #tpu.memory_space<vmem>> -> memref<1x128xi32, #tpu.memory_space<vmem>>
        %dma_start3A_265 = tpu.memref_squeeze %dma_start3A_264 : memref<1x128xi32, #tpu.memory_space<vmem>> -> memref<128xi32, #tpu.memory_space<vmem>>
        %dma_start3A_266 = arith.constant 0 : i32
        %dma_start3A_267 = arith.constant 0 : i32
        %dma_start3A_268 = tpu.memref_slice %arg3[%dma_start3A_266, %dma_start3A_267] : memref<1000000x64xf32, #tpu.memory_space<hbm>> -> memref<1000000x64xf32, #tpu.memory_space<hbm>>
        tpu.enqueue_indirect_dma source(%dma_start3A_268 : memref<1000000x64xf32, #tpu.memory_space<hbm>>) target(%dma_start3A_262 : memref<128x64xf32, #tpu.memory_space<vmem>>) offsets(%dma_start3A_265 : memref<128xi32, #tpu.memory_space<vmem>>) semaphore(%arg12 : memref<!tpu.dma_semaphore, #tpu.memory_space<semaphore_mem>>)
      } else {
      }
      %dma_wait3A_68 = arith.constant 0 : i32
      %dma_wait3A_69 = arith.constant 0 : i32
      %dma_wait3A_70 = arith.constant 0 : i32
      %dma_wait3A_71 = tpu.memref_slice %arg6[%dma_wait3A_69, %dma_wait3A_70] : memref<256x64xf32, #tpu.memory_space<vmem>> -> memref<128x64xf32, #tpu.memory_space<vmem>>
      %dma_wait3A_72 = arith.constant 0 : i32
      %dma_wait3A_73 = tpu.memref_slice %arg5[%dma_wait3A_68, %dma_wait3A_72] : memref<200x128xi32, #tpu.memory_space<vmem>> -> memref<1x128xi32, #tpu.memory_space<vmem>>
      %dma_wait3A_74 = tpu.memref_squeeze %dma_wait3A_73 : memref<1x128xi32, #tpu.memory_space<vmem>> -> memref<128xi32, #tpu.memory_space<vmem>>
      %dma_wait3A_75 = arith.constant 0 : i32
      %dma_wait3A_76 = arith.constant 0 : i32
      %dma_wait3A_77 = tpu.memref_slice %arg3[%dma_wait3A_75, %dma_wait3A_76] : memref<1000000x64xf32, #tpu.memory_space<hbm>> -> memref<1000000x64xf32, #tpu.memory_space<hbm>>
      tpu.wait_indirect_dma semaphore(%arg10 : memref<!tpu.dma_semaphore, #tpu.memory_space<semaphore_mem>>) src(%dma_wait3A_77 : memref<1000000x64xf32, #tpu.memory_space<hbm>>) dst(%dma_wait3A_71 : memref<128x64xf32, #tpu.memory_space<vmem>>)
      %parallel_loop3A = arith.constant 0 : i32
      %parallel_loop3A_78 = arith.constant 128 : i32
      %parallel_loop3A_79 = arith.constant 1 : i32
      scf.for %parallel_loop3A_241 = %parallel_loop3A to %parallel_loop3A_78 step %parallel_loop3A_79  : i32 {
        %parallel_loop3A_242 = arith.constant 0 : i32
        %parallel_loop3A_243 = arith.addi %parallel_loop3A_241, %parallel_loop3A_242 : i32
        %parallel_loop3A_244 = arith.index_cast %parallel_loop3A_243 : i32 to index
        %parallel_loop3A_245 = arith.constant 0 : index
        %parallel_loop3A_246 = tpu.vector_load %arg6[%parallel_loop3A_244, %parallel_loop3A_245] {strides = array<i32>} : memref<256x64xf32, #tpu.memory_space<vmem>>, vector<1x16xf32>,
        %parallel_loop3A_247 = vector.shape_cast %parallel_loop3A_246 : vector<1x16xf32> to vector<16xf32>
        %parallel_loop3A_248 = arith.constant 8.000000e+00 : f32
        %parallel_loop3A_249 = vector.broadcast %parallel_loop3A_248 : f32 to vector<16xf32>
        %parallel_loop3A_250 = arith.mulf %parallel_loop3A_247, %parallel_loop3A_249 : vector<16xf32>
        %parallel_loop3A_251 = arith.index_cast %parallel_loop3A_243 : i32 to index
        %parallel_loop3A_252 = arith.constant 0 : index
        %parallel_loop3A_253 = tpu.vector_load %arg6[%parallel_loop3A_251, %parallel_loop3A_252] {strides = array<i32>} : memref<256x64xf32, #tpu.memory_space<vmem>>, vector<1x16xf32>,
        %parallel_loop3A_254 = vector.shape_cast %parallel_loop3A_253 : vector<1x16xf32> to vector<16xf32>
        %parallel_loop3A_255 = vector.shape_cast %parallel_loop3A_250 : vector<16xf32> to vector<1x16xf32>
        tpu.vector_store %arg6[%parallel_loop3A_251, %parallel_loop3A_252], %parallel_loop3A_255 {strides = array<i32>} : memref<256x64xf32, #tpu.memory_space<vmem>>, vector<1x16xf32>,
        %parallel_loop3A_256 = arith.constant 0 : i32
        %parallel_loop3A_257 = arith.addi %parallel_loop3A_241, %parallel_loop3A_256 : i32
        %parallel_loop3A_258 = arith.index_cast %parallel_loop3A_257 : i32 to index
        %parallel_loop3A_259 = arith.constant 16 : index
        %parallel_loop3A_260 = tpu.vector_load %arg6[%parallel_loop3A_258, %parallel_loop3A_259] {strides = array<i32>} : memref<256x64xf32, #tpu.memory_space<vmem>>, vector<1x16xf32>,
        %parallel_loop3A_261 = vector.shape_cast %parallel_loop3A_260 : vector<1x16xf32> to vector<16xf32>
        %parallel_loop3A_262 = arith.constant 8.000000e+00 : f32
        %parallel_loop3A_263 = vector.broadcast %parallel_loop3A_262 : f32 to vector<16xf32>
        %parallel_loop3A_264 = arith.mulf %parallel_loop3A_261, %parallel_loop3A_263 : vector<16xf32>
        %parallel_loop3A_265 = arith.index_cast %parallel_loop3A_257 : i32 to index
        %parallel_loop3A_266 = arith.constant 16 : index
        %parallel_loop3A_267 = tpu.vector_load %arg6[%parallel_loop3A_265, %parallel_loop3A_266] {strides = array<i32>} : memref<256x64xf32, #tpu.memory_space<vmem>>, vector<1x16xf32>,
        %parallel_loop3A_268 = vector.shape_cast %parallel_loop3A_267 : vector<1x16xf32> to vector<16xf32>
        %parallel_loop3A_269 = vector.shape_cast %parallel_loop3A_264 : vector<16xf32> to vector<1x16xf32>
        tpu.vector_store %arg6[%parallel_loop3A_265, %parallel_loop3A_266], %parallel_loop3A_269 {strides = array<i32>} : memref<256x64xf32, #tpu.memory_space<vmem>>, vector<1x16xf32>,
        %parallel_loop3A_270 = arith.constant 0 : i32
        %parallel_loop3A_271 = arith.addi %parallel_loop3A_241, %parallel_loop3A_270 : i32
        %parallel_loop3A_272 = arith.index_cast %parallel_loop3A_271 : i32 to index
        %parallel_loop3A_273 = arith.constant 32 : index
        %parallel_loop3A_274 = tpu.vector_load %arg6[%parallel_loop3A_272, %parallel_loop3A_273] {strides = array<i32>} : memref<256x64xf32, #tpu.memory_space<vmem>>, vector<1x16xf32>,
        %parallel_loop3A_275 = vector.shape_cast %parallel_loop3A_274 : vector<1x16xf32> to vector<16xf32>
        %parallel_loop3A_276 = arith.constant 8.000000e+00 : f32
        %parallel_loop3A_277 = vector.broadcast %parallel_loop3A_276 : f32 to vector<16xf32>
        %parallel_loop3A_278 = arith.mulf %parallel_loop3A_275, %parallel_loop3A_277 : vector<16xf32>
        %parallel_loop3A_279 = arith.index_cast %parallel_loop3A_271 : i32 to index
        %parallel_loop3A_280 = arith.constant 32 : index
        %parallel_loop3A_281 = tpu.vector_load %arg6[%parallel_loop3A_279, %parallel_loop3A_280] {strides = array<i32>} : memref<256x64xf32, #tpu.memory_space<vmem>>, vector<1x16xf32>,
        %parallel_loop3A_282 = vector.shape_cast %parallel_loop3A_281 : vector<1x16xf32> to vector<16xf32>
        %parallel_loop3A_283 = vector.shape_cast %parallel_loop3A_278 : vector<16xf32> to vector<1x16xf32>
        tpu.vector_store %arg6[%parallel_loop3A_279, %parallel_loop3A_280], %parallel_loop3A_283 {strides = array<i32>} : memref<256x64xf32, #tpu.memory_space<vmem>>, vector<1x16xf32>,
        %parallel_loop3A_284 = arith.constant 0 : i32
        %parallel_loop3A_285 = arith.addi %parallel_loop3A_241, %parallel_loop3A_284 : i32
        %parallel_loop3A_286 = arith.index_cast %parallel_loop3A_285 : i32 to index
        %parallel_loop3A_287 = arith.constant 48 : index
        %parallel_loop3A_288 = tpu.vector_load %arg6[%parallel_loop3A_286, %parallel_loop3A_287] {strides = array<i32>} : memref<256x64xf32, #tpu.memory_space<vmem>>, vector<1x16xf32>,
        %parallel_loop3A_289 = vector.shape_cast %parallel_loop3A_288 : vector<1x16xf32> to vector<16xf32>
        %parallel_loop3A_290 = arith.constant 8.000000e+00 : f32
        %parallel_loop3A_291 = vector.broadcast %parallel_loop3A_290 : f32 to vector<16xf32>
        %parallel_loop3A_292 = arith.mulf %parallel_loop3A_289, %parallel_loop3A_291 : vector<16xf32>
        %parallel_loop3A_293 = arith.index_cast %parallel_loop3A_285 : i32 to index
        %parallel_loop3A_294 = arith.constant 48 : index
        %parallel_loop3A_295 = tpu.vector_load %arg6[%parallel_loop3A_293, %parallel_loop3A_294] {strides = array<i32>} : memref<256x64xf32, #tpu.memory_space<vmem>>, vector<1x16xf32>,
        %parallel_loop3A_296 = vector.shape_cast %parallel_loop3A_295 : vector<1x16xf32> to vector<16xf32>
        %parallel_loop3A_297 = vector.shape_cast %parallel_loop3A_292 : vector<16xf32> to vector<1x16xf32>
        tpu.vector_store %arg6[%parallel_loop3A_293, %parallel_loop3A_294], %parallel_loop3A_297 {strides = array<i32>} : memref<256x64xf32, #tpu.memory_space<vmem>>, vector<1x16xf32>,
      } {sc.loop_unroll_factor = 8 : i64, sc.parallel_access}
      %dma_wait3A_80 = arith.constant 0 : i32
      %dma_wait3A_81 = arith.constant 128 : i32
      %dma_wait3A_82 = arith.constant 0 : i32
      %dma_wait3A_83 = tpu.memref_slice %arg6[%dma_wait3A_81, %dma_wait3A_82] : memref<256x64xf32, #tpu.memory_space<vmem>> -> memref<128x64xf32, #tpu.memory_space<vmem>>
      %dma_wait3A_84 = arith.constant 0 : i32
      %dma_wait3A_85 = tpu.memref_slice %arg5[%dma_wait3A_80, %dma_wait3A_84] : memref<200x128xi32, #tpu.memory_space<vmem>> -> memref<1x128xi32, #tpu.memory_space<vmem>>
      %dma_wait3A_86 = tpu.memref_squeeze %dma_wait3A_85 : memref<1x128xi32, #tpu.memory_space<vmem>> -> memref<128xi32, #tpu.memory_space<vmem>>
      %dma_wait3A_87 = arith.constant 0 : i32
      %dma_wait3A_88 = arith.constant 0 : i32
      %dma_wait3A_89 = tpu.memref_slice %arg3[%dma_wait3A_87, %dma_wait3A_88] : memref<1000000x64xf32, #tpu.memory_space<hbm>> -> memref<1000000x64xf32, #tpu.memory_space<hbm>>
      tpu.wait_indirect_dma semaphore(%arg10 : memref<!tpu.dma_semaphore, #tpu.memory_space<semaphore_mem>>) src(%dma_wait3A_89 : memref<1000000x64xf32, #tpu.memory_space<hbm>>) dst(%dma_wait3A_83 : memref<128x64xf32, #tpu.memory_space<vmem>>)
      %parallel_loop3A_90 = arith.constant 0 : i32
      %parallel_loop3A_91 = arith.constant 128 : i32
      %parallel_loop3A_92 = arith.constant 1 : i32
      scf.for %parallel_loop3A_241 = %parallel_loop3A_90 to %parallel_loop3A_91 step %parallel_loop3A_92  : i32 {
        %parallel_loop3A_242 = arith.constant 128 : i32
        %parallel_loop3A_243 = arith.addi %parallel_loop3A_241, %parallel_loop3A_242 : i32
        %parallel_loop3A_244 = arith.index_cast %parallel_loop3A_243 : i32 to index
        %parallel_loop3A_245 = arith.constant 0 : index
        %parallel_loop3A_246 = tpu.vector_load %arg6[%parallel_loop3A_244, %parallel_loop3A_245] {strides = array<i32>} : memref<256x64xf32, #tpu.memory_space<vmem>>, vector<1x16xf32>,
        %parallel_loop3A_247 = vector.shape_cast %parallel_loop3A_246 : vector<1x16xf32> to vector<16xf32>
        %parallel_loop3A_248 = arith.constant 8.000000e+00 : f32
        %parallel_loop3A_249 = vector.broadcast %parallel_loop3A_248 : f32 to vector<16xf32>
        %parallel_loop3A_250 = arith.mulf %parallel_loop3A_247, %parallel_loop3A_249 : vector<16xf32>
        %parallel_loop3A_251 = arith.index_cast %parallel_loop3A_243 : i32 to index
        %parallel_loop3A_252 = arith.constant 0 : index
        %parallel_loop3A_253 = tpu.vector_load %arg6[%parallel_loop3A_251, %parallel_loop3A_252] {strides = array<i32>} : memref<256x64xf32, #tpu.memory_space<vmem>>, vector<1x16xf32>,
        %parallel_loop3A_254 = vector.shape_cast %parallel_loop3A_253 : vector<1x16xf32> to vector<16xf32>
        %parallel_loop3A_255 = vector.shape_cast %parallel_loop3A_250 : vector<16xf32> to vector<1x16xf32>
        tpu.vector_store %arg6[%parallel_loop3A_251, %parallel_loop3A_252], %parallel_loop3A_255 {strides = array<i32>} : memref<256x64xf32, #tpu.memory_space<vmem>>, vector<1x16xf32>,
        %parallel_loop3A_256 = arith.constant 128 : i32
        %parallel_loop3A_257 = arith.addi %parallel_loop3A_241, %parallel_loop3A_256 : i32
        %parallel_loop3A_258 = arith.index_cast %parallel_loop3A_257 : i32 to index
        %parallel_loop3A_259 = arith.constant 16 : index
        %parallel_loop3A_260 = tpu.vector_load %arg6[%parallel_loop3A_258, %parallel_loop3A_259] {strides = array<i32>} : memref<256x64xf32, #tpu.memory_space<vmem>>, vector<1x16xf32>,
        %parallel_loop3A_261 = vector.shape_cast %parallel_loop3A_260 : vector<1x16xf32> to vector<16xf32>
        %parallel_loop3A_262 = arith.constant 8.000000e+00 : f32
        %parallel_loop3A_263 = vector.broadcast %parallel_loop3A_262 : f32 to vector<16xf32>
        %parallel_loop3A_264 = arith.mulf %parallel_loop3A_261, %parallel_loop3A_263 : vector<16xf32>
        %parallel_loop3A_265 = arith.index_cast %parallel_loop3A_257 : i32 to index
        %parallel_loop3A_266 = arith.constant 16 : index
        %parallel_loop3A_267 = tpu.vector_load %arg6[%parallel_loop3A_265, %parallel_loop3A_266] {strides = array<i32>} : memref<256x64xf32, #tpu.memory_space<vmem>>, vector<1x16xf32>,
        %parallel_loop3A_268 = vector.shape_cast %parallel_loop3A_267 : vector<1x16xf32> to vector<16xf32>
        %parallel_loop3A_269 = vector.shape_cast %parallel_loop3A_264 : vector<16xf32> to vector<1x16xf32>
        tpu.vector_store %arg6[%parallel_loop3A_265, %parallel_loop3A_266], %parallel_loop3A_269 {strides = array<i32>} : memref<256x64xf32, #tpu.memory_space<vmem>>, vector<1x16xf32>,
        %parallel_loop3A_270 = arith.constant 128 : i32
        %parallel_loop3A_271 = arith.addi %parallel_loop3A_241, %parallel_loop3A_270 : i32
        %parallel_loop3A_272 = arith.index_cast %parallel_loop3A_271 : i32 to index
        %parallel_loop3A_273 = arith.constant 32 : index
        %parallel_loop3A_274 = tpu.vector_load %arg6[%parallel_loop3A_272, %parallel_loop3A_273] {strides = array<i32>} : memref<256x64xf32, #tpu.memory_space<vmem>>, vector<1x16xf32>,
        %parallel_loop3A_275 = vector.shape_cast %parallel_loop3A_274 : vector<1x16xf32> to vector<16xf32>
        %parallel_loop3A_276 = arith.constant 8.000000e+00 : f32
        %parallel_loop3A_277 = vector.broadcast %parallel_loop3A_276 : f32 to vector<16xf32>
        %parallel_loop3A_278 = arith.mulf %parallel_loop3A_275, %parallel_loop3A_277 : vector<16xf32>
        %parallel_loop3A_279 = arith.index_cast %parallel_loop3A_271 : i32 to index
        %parallel_loop3A_280 = arith.constant 32 : index
        %parallel_loop3A_281 = tpu.vector_load %arg6[%parallel_loop3A_279, %parallel_loop3A_280] {strides = array<i32>} : memref<256x64xf32, #tpu.memory_space<vmem>>, vector<1x16xf32>,
        %parallel_loop3A_282 = vector.shape_cast %parallel_loop3A_281 : vector<1x16xf32> to vector<16xf32>
        %parallel_loop3A_283 = vector.shape_cast %parallel_loop3A_278 : vector<16xf32> to vector<1x16xf32>
        tpu.vector_store %arg6[%parallel_loop3A_279, %parallel_loop3A_280], %parallel_loop3A_283 {strides = array<i32>} : memref<256x64xf32, #tpu.memory_space<vmem>>, vector<1x16xf32>,
        %parallel_loop3A_284 = arith.constant 128 : i32
        %parallel_loop3A_285 = arith.addi %parallel_loop3A_241, %parallel_loop3A_284 : i32
        %parallel_loop3A_286 = arith.index_cast %parallel_loop3A_285 : i32 to index
        %parallel_loop3A_287 = arith.constant 48 : index
        %parallel_loop3A_288 = tpu.vector_load %arg6[%parallel_loop3A_286, %parallel_loop3A_287] {strides = array<i32>} : memref<256x64xf32, #tpu.memory_space<vmem>>, vector<1x16xf32>,
        %parallel_loop3A_289 = vector.shape_cast %parallel_loop3A_288 : vector<1x16xf32> to vector<16xf32>
        %parallel_loop3A_290 = arith.constant 8.000000e+00 : f32
        %parallel_loop3A_291 = vector.broadcast %parallel_loop3A_290 : f32 to vector<16xf32>
        %parallel_loop3A_292 = arith.mulf %parallel_loop3A_289, %parallel_loop3A_291 : vector<16xf32>
        %parallel_loop3A_293 = arith.index_cast %parallel_loop3A_285 : i32 to index
        %parallel_loop3A_294 = arith.constant 48 : index
        %parallel_loop3A_295 = tpu.vector_load %arg6[%parallel_loop3A_293, %parallel_loop3A_294] {strides = array<i32>} : memref<256x64xf32, #tpu.memory_space<vmem>>, vector<1x16xf32>,
        %parallel_loop3A_296 = vector.shape_cast %parallel_loop3A_295 : vector<1x16xf32> to vector<16xf32>
        %parallel_loop3A_297 = vector.shape_cast %parallel_loop3A_292 : vector<16xf32> to vector<1x16xf32>
        tpu.vector_store %arg6[%parallel_loop3A_293, %parallel_loop3A_294], %parallel_loop3A_297 {strides = array<i32>} : memref<256x64xf32, #tpu.memory_space<vmem>>, vector<1x16xf32>,
      } {sc.loop_unroll_factor = 8 : i64, sc.parallel_access}
      %mul3A_93 = arith.constant 256 : i32
      %mul3A_94 = arith.muli %add3A_59, %mul3A_93 : i32
      %add3A_95 = arith.addi %mul3A_4, %mul3A_94 : i32
      %dma_start3A_96 = arith.constant 0 : i32
      %dma_start3A_97 = tpu.memref_slice %arg4[%add3A_95, %dma_start3A_96] : memref<819200x64xf32, #tpu.memory_space<hbm>> -> memref<256x64xf32, #tpu.memory_space<hbm>>
      %dma_start3A_98 = arith.constant 0 : i32
      %dma_start3A_99 = tpu.memref_slice %arg4[%add3A_95, %dma_start3A_98] : memref<819200x64xf32, #tpu.memory_space<hbm>> -> memref<256x64xf32, #tpu.memory_space<hbm>>
      tpu.enqueue_dma source(%arg6 : memref<256x64xf32, #tpu.memory_space<vmem>>) target(%dma_start3A_99 : memref<256x64xf32, #tpu.memory_space<hbm>>) target_semaphore(%arg14 : memref<!tpu.dma_semaphore, #tpu.memory_space<semaphore_mem>>)
      %add3A_100 = arith.constant 1 : i32
      %add3A_101 = arith.addi %mul3A_57, %add3A_100 : i32
      %ge3A_102 = arith.constant 2 : i32
      %ge3A_103 = arith.cmpi sge, %add3A_101, %ge3A_102 : i32
      %convert_element_type3A_104 = arith.extui %ge3A_103 : i1 to i32
      %cond3A_105 = arith.constant 0 : i32
      %cond3A_106 = arith.cmpi ne, %convert_element_type3A_104, %cond3A_105 : i32
      scf.if %cond3A_106 {
        %dma_wait3A_241 = arith.constant 0 : i32
        %dma_wait3A_242 = tpu.memref_slice %arg4[%mul3A_4, %dma_wait3A_241] : memref<819200x64xf32, #tpu.memory_space<hbm>> -> memref<256x64xf32, #tpu.memory_space<hbm>>
        %dma_wait3A_243 = arith.constant 0 : i32
        %dma_wait3A_244 = tpu.memref_slice %arg4[%mul3A_4, %dma_wait3A_243] : memref<819200x64xf32, #tpu.memory_space<hbm>> -> memref<256x64xf32, #tpu.memory_space<hbm>>
        tpu.wait_dma2 semaphore(%arg17 : memref<!tpu.dma_semaphore, #tpu.memory_space<semaphore_mem>>) src(%arg9 : memref<256x64xf32, #tpu.memory_space<vmem>>) dst(%dma_wait3A_244 : memref<256x64xf32, #tpu.memory_space<hbm>>)
      } else {
      }
      %add3A_107 = arith.constant 2 : i32
      %add3A_108 = arith.addi %add3A_101, %add3A_107 : i32
      %lt3A_109 = arith.constant 100 : i32
      %lt3A_110 = arith.cmpi slt, %add3A_108, %lt3A_109 : i32
      %convert_element_type3A_111 = arith.extui %lt3A_110 : i1 to i32
      %cond3A_112 = arith.constant 0 : i32
      %cond3A_113 = arith.cmpi ne, %convert_element_type3A_111, %cond3A_112 : i32
      scf.if %cond3A_113 {
        %add3A_241 = arith.constant 2 : i32
        %add3A_242 = arith.addi %add3A_101, %add3A_241 : i32
        %mul3A_243 = arith.constant 2 : i32
        %mul3A_244 = arith.muli %add3A_242, %mul3A_243 : i32
        %add3A_245 = arith.constant 0 : i32
        %add3A_246 = arith.addi %mul3A_244, %add3A_245 : i32
        %dma_start3A_247 = arith.constant 0 : i32
        %dma_start3A_248 = arith.constant 0 : i32
        %dma_start3A_249 = tpu.memref_slice %arg9[%dma_start3A_247, %dma_start3A_248] : memref<256x64xf32, #tpu.memory_space<vmem>> -> memref<128x64xf32, #tpu.memory_space<vmem>>
        %dma_start3A_250 = arith.constant 0 : i32
        %dma_start3A_251 = tpu.memref_slice %arg5[%add3A_246, %dma_start3A_250] : memref<200x128xi32, #tpu.memory_space<vmem>> -> memref<1x128xi32, #tpu.memory_space<vmem>>
        %dma_start3A_252 = tpu.memref_squeeze %dma_start3A_251 : memref<1x128xi32, #tpu.memory_space<vmem>> -> memref<128xi32, #tpu.memory_space<vmem>>
        %dma_start3A_253 = arith.constant 0 : i32
        %dma_start3A_254 = arith.constant 0 : i32
        %dma_start3A_255 = tpu.memref_slice %arg3[%dma_start3A_253, %dma_start3A_254] : memref<1000000x64xf32, #tpu.memory_space<hbm>> -> memref<1000000x64xf32, #tpu.memory_space<hbm>>
        tpu.enqueue_indirect_dma source(%dma_start3A_255 : memref<1000000x64xf32, #tpu.memory_space<hbm>>) target(%dma_start3A_249 : memref<128x64xf32, #tpu.memory_space<vmem>>) offsets(%dma_start3A_252 : memref<128xi32, #tpu.memory_space<vmem>>) semaphore(%arg13 : memref<!tpu.dma_semaphore, #tpu.memory_space<semaphore_mem>>)
        %mul3A_256 = arith.constant 2 : i32
        %mul3A_257 = arith.muli %add3A_242, %mul3A_256 : i32
        %add3A_258 = arith.constant 1 : i32
        %add3A_259 = arith.addi %mul3A_257, %add3A_258 : i32
        %dma_start3A_260 = arith.constant 128 : i32
        %dma_start3A_261 = arith.constant 0 : i32
        %dma_start3A_262 = tpu.memref_slice %arg9[%dma_start3A_260, %dma_start3A_261] : memref<256x64xf32, #tpu.memory_space<vmem>> -> memref<128x64xf32, #tpu.memory_space<vmem>>
        %dma_start3A_263 = arith.constant 0 : i32
        %dma_start3A_264 = tpu.memref_slice %arg5[%add3A_259, %dma_start3A_263] : memref<200x128xi32, #tpu.memory_space<vmem>> -> memref<1x128xi32, #tpu.memory_space<vmem>>
        %dma_start3A_265 = tpu.memref_squeeze %dma_start3A_264 : memref<1x128xi32, #tpu.memory_space<vmem>> -> memref<128xi32, #tpu.memory_space<vmem>>
        %dma_start3A_266 = arith.constant 0 : i32
        %dma_start3A_267 = arith.constant 0 : i32
        %dma_start3A_268 = tpu.memref_slice %arg3[%dma_start3A_266, %dma_start3A_267] : memref<1000000x64xf32, #tpu.memory_space<hbm>> -> memref<1000000x64xf32, #tpu.memory_space<hbm>>
        tpu.enqueue_indirect_dma source(%dma_start3A_268 : memref<1000000x64xf32, #tpu.memory_space<hbm>>) target(%dma_start3A_262 : memref<128x64xf32, #tpu.memory_space<vmem>>) offsets(%dma_start3A_265 : memref<128xi32, #tpu.memory_space<vmem>>) semaphore(%arg13 : memref<!tpu.dma_semaphore, #tpu.memory_space<semaphore_mem>>)
      } else {
      }
      %dma_wait3A_114 = arith.constant 0 : i32
      %dma_wait3A_115 = arith.constant 0 : i32
      %dma_wait3A_116 = arith.constant 0 : i32
      %dma_wait3A_117 = tpu.memref_slice %arg7[%dma_wait3A_115, %dma_wait3A_116] : memref<256x64xf32, #tpu.memory_space<vmem>> -> memref<128x64xf32, #tpu.memory_space<vmem>>
      %dma_wait3A_118 = arith.constant 0 : i32
      %dma_wait3A_119 = tpu.memref_slice %arg5[%dma_wait3A_114, %dma_wait3A_118] : memref<200x128xi32, #tpu.memory_space<vmem>> -> memref<1x128xi32, #tpu.memory_space<vmem>>
      %dma_wait3A_120 = tpu.memref_squeeze %dma_wait3A_119 : memref<1x128xi32, #tpu.memory_space<vmem>> -> memref<128xi32, #tpu.memory_space<vmem>>
      %dma_wait3A_121 = arith.constant 0 : i32
      %dma_wait3A_122 = arith.constant 0 : i32
      %dma_wait3A_123 = tpu.memref_slice %arg3[%dma_wait3A_121, %dma_wait3A_122] : memref<1000000x64xf32, #tpu.memory_space<hbm>> -> memref<1000000x64xf32, #tpu.memory_space<hbm>>
      tpu.wait_indirect_dma semaphore(%arg11 : memref<!tpu.dma_semaphore, #tpu.memory_space<semaphore_mem>>) src(%dma_wait3A_123 : memref<1000000x64xf32, #tpu.memory_space<hbm>>) dst(%dma_wait3A_117 : memref<128x64xf32, #tpu.memory_space<vmem>>)
      %parallel_loop3A_124 = arith.constant 0 : i32
      %parallel_loop3A_125 = arith.constant 128 : i32
      %parallel_loop3A_126 = arith.constant 1 : i32
      scf.for %parallel_loop3A_241 = %parallel_loop3A_124 to %parallel_loop3A_125 step %parallel_loop3A_126  : i32 {
        %parallel_loop3A_242 = arith.constant 0 : i32
        %parallel_loop3A_243 = arith.addi %parallel_loop3A_241, %parallel_loop3A_242 : i32
        %parallel_loop3A_244 = arith.index_cast %parallel_loop3A_243 : i32 to index
        %parallel_loop3A_245 = arith.constant 0 : index
        %parallel_loop3A_246 = tpu.vector_load %arg7[%parallel_loop3A_244, %parallel_loop3A_245] {strides = array<i32>} : memref<256x64xf32, #tpu.memory_space<vmem>>, vector<1x16xf32>,
        %parallel_loop3A_247 = vector.shape_cast %parallel_loop3A_246 : vector<1x16xf32> to vector<16xf32>
        %parallel_loop3A_248 = arith.constant 8.000000e+00 : f32
        %parallel_loop3A_249 = vector.broadcast %parallel_loop3A_248 : f32 to vector<16xf32>
        %parallel_loop3A_250 = arith.mulf %parallel_loop3A_247, %parallel_loop3A_249 : vector<16xf32>
        %parallel_loop3A_251 = arith.index_cast %parallel_loop3A_243 : i32 to index
        %parallel_loop3A_252 = arith.constant 0 : index
        %parallel_loop3A_253 = tpu.vector_load %arg7[%parallel_loop3A_251, %parallel_loop3A_252] {strides = array<i32>} : memref<256x64xf32, #tpu.memory_space<vmem>>, vector<1x16xf32>,
        %parallel_loop3A_254 = vector.shape_cast %parallel_loop3A_253 : vector<1x16xf32> to vector<16xf32>
        %parallel_loop3A_255 = vector.shape_cast %parallel_loop3A_250 : vector<16xf32> to vector<1x16xf32>
        tpu.vector_store %arg7[%parallel_loop3A_251, %parallel_loop3A_252], %parallel_loop3A_255 {strides = array<i32>} : memref<256x64xf32, #tpu.memory_space<vmem>>, vector<1x16xf32>,
        %parallel_loop3A_256 = arith.constant 0 : i32
        %parallel_loop3A_257 = arith.addi %parallel_loop3A_241, %parallel_loop3A_256 : i32
        %parallel_loop3A_258 = arith.index_cast %parallel_loop3A_257 : i32 to index
        %parallel_loop3A_259 = arith.constant 16 : index
        %parallel_loop3A_260 = tpu.vector_load %arg7[%parallel_loop3A_258, %parallel_loop3A_259] {strides = array<i32>} : memref<256x64xf32, #tpu.memory_space<vmem>>, vector<1x16xf32>,
        %parallel_loop3A_261 = vector.shape_cast %parallel_loop3A_260 : vector<1x16xf32> to vector<16xf32>
        %parallel_loop3A_262 = arith.constant 8.000000e+00 : f32
        %parallel_loop3A_263 = vector.broadcast %parallel_loop3A_262 : f32 to vector<16xf32>
        %parallel_loop3A_264 = arith.mulf %parallel_loop3A_261, %parallel_loop3A_263 : vector<16xf32>
        %parallel_loop3A_265 = arith.index_cast %parallel_loop3A_257 : i32 to index
        %parallel_loop3A_266 = arith.constant 16 : index
        %parallel_loop3A_267 = tpu.vector_load %arg7[%parallel_loop3A_265, %parallel_loop3A_266] {strides = array<i32>} : memref<256x64xf32, #tpu.memory_space<vmem>>, vector<1x16xf32>,
        %parallel_loop3A_268 = vector.shape_cast %parallel_loop3A_267 : vector<1x16xf32> to vector<16xf32>
        %parallel_loop3A_269 = vector.shape_cast %parallel_loop3A_264 : vector<16xf32> to vector<1x16xf32>
        tpu.vector_store %arg7[%parallel_loop3A_265, %parallel_loop3A_266], %parallel_loop3A_269 {strides = array<i32>} : memref<256x64xf32, #tpu.memory_space<vmem>>, vector<1x16xf32>,
        %parallel_loop3A_270 = arith.constant 0 : i32
        %parallel_loop3A_271 = arith.addi %parallel_loop3A_241, %parallel_loop3A_270 : i32
        %parallel_loop3A_272 = arith.index_cast %parallel_loop3A_271 : i32 to index
        %parallel_loop3A_273 = arith.constant 32 : index
        %parallel_loop3A_274 = tpu.vector_load %arg7[%parallel_loop3A_272, %parallel_loop3A_273] {strides = array<i32>} : memref<256x64xf32, #tpu.memory_space<vmem>>, vector<1x16xf32>,
        %parallel_loop3A_275 = vector.shape_cast %parallel_loop3A_274 : vector<1x16xf32> to vector<16xf32>
        %parallel_loop3A_276 = arith.constant 8.000000e+00 : f32
        %parallel_loop3A_277 = vector.broadcast %parallel_loop3A_276 : f32 to vector<16xf32>
        %parallel_loop3A_278 = arith.mulf %parallel_loop3A_275, %parallel_loop3A_277 : vector<16xf32>
        %parallel_loop3A_279 = arith.index_cast %parallel_loop3A_271 : i32 to index
        %parallel_loop3A_280 = arith.constant 32 : index
        %parallel_loop3A_281 = tpu.vector_load %arg7[%parallel_loop3A_279, %parallel_loop3A_280] {strides = array<i32>} : memref<256x64xf32, #tpu.memory_space<vmem>>, vector<1x16xf32>,
        %parallel_loop3A_282 = vector.shape_cast %parallel_loop3A_281 : vector<1x16xf32> to vector<16xf32>
        %parallel_loop3A_283 = vector.shape_cast %parallel_loop3A_278 : vector<16xf32> to vector<1x16xf32>
        tpu.vector_store %arg7[%parallel_loop3A_279, %parallel_loop3A_280], %parallel_loop3A_283 {strides = array<i32>} : memref<256x64xf32, #tpu.memory_space<vmem>>, vector<1x16xf32>,
        %parallel_loop3A_284 = arith.constant 0 : i32
        %parallel_loop3A_285 = arith.addi %parallel_loop3A_241, %parallel_loop3A_284 : i32
        %parallel_loop3A_286 = arith.index_cast %parallel_loop3A_285 : i32 to index
        %parallel_loop3A_287 = arith.constant 48 : index
        %parallel_loop3A_288 = tpu.vector_load %arg7[%parallel_loop3A_286, %parallel_loop3A_287] {strides = array<i32>} : memref<256x64xf32, #tpu.memory_space<vmem>>, vector<1x16xf32>,
        %parallel_loop3A_289 = vector.shape_cast %parallel_loop3A_288 : vector<1x16xf32> to vector<16xf32>
        %parallel_loop3A_290 = arith.constant 8.000000e+00 : f32
        %parallel_loop3A_291 = vector.broadcast %parallel_loop3A_290 : f32 to vector<16xf32>
        %parallel_loop3A_292 = arith.mulf %parallel_loop3A_289, %parallel_loop3A_291 : vector<16xf32>
        %parallel_loop3A_293 = arith.index_cast %parallel_loop3A_285 : i32 to index
        %parallel_loop3A_294 = arith.constant 48 : index
        %parallel_loop3A_295 = tpu.vector_load %arg7[%parallel_loop3A_293, %parallel_loop3A_294] {strides = array<i32>} : memref<256x64xf32, #tpu.memory_space<vmem>>, vector<1x16xf32>,
        %parallel_loop3A_296 = vector.shape_cast %parallel_loop3A_295 : vector<1x16xf32> to vector<16xf32>
        %parallel_loop3A_297 = vector.shape_cast %parallel_loop3A_292 : vector<16xf32> to vector<1x16xf32>
        tpu.vector_store %arg7[%parallel_loop3A_293, %parallel_loop3A_294], %parallel_loop3A_297 {strides = array<i32>} : memref<256x64xf32, #tpu.memory_space<vmem>>, vector<1x16xf32>,
      } {sc.loop_unroll_factor = 8 : i64, sc.parallel_access}
      %dma_wait3A_127 = arith.constant 0 : i32
      %dma_wait3A_128 = arith.constant 128 : i32
      %dma_wait3A_129 = arith.constant 0 : i32
      %dma_wait3A_130 = tpu.memref_slice %arg7[%dma_wait3A_128, %dma_wait3A_129] : memref<256x64xf32, #tpu.memory_space<vmem>> -> memref<128x64xf32, #tpu.memory_space<vmem>>
      %dma_wait3A_131 = arith.constant 0 : i32
      %dma_wait3A_132 = tpu.memref_slice %arg5[%dma_wait3A_127, %dma_wait3A_131] : memref<200x128xi32, #tpu.memory_space<vmem>> -> memref<1x128xi32, #tpu.memory_space<vmem>>
      %dma_wait3A_133 = tpu.memref_squeeze %dma_wait3A_132 : memref<1x128xi32, #tpu.memory_space<vmem>> -> memref<128xi32, #tpu.memory_space<vmem>>
      %dma_wait3A_134 = arith.constant 0 : i32
      %dma_wait3A_135 = arith.constant 0 : i32
      %dma_wait3A_136 = tpu.memref_slice %arg3[%dma_wait3A_134, %dma_wait3A_135] : memref<1000000x64xf32, #tpu.memory_space<hbm>> -> memref<1000000x64xf32, #tpu.memory_space<hbm>>
      tpu.wait_indirect_dma semaphore(%arg11 : memref<!tpu.dma_semaphore, #tpu.memory_space<semaphore_mem>>) src(%dma_wait3A_136 : memref<1000000x64xf32, #tpu.memory_space<hbm>>) dst(%dma_wait3A_130 : memref<128x64xf32, #tpu.memory_space<vmem>>)
      %parallel_loop3A_137 = arith.constant 0 : i32
      %parallel_loop3A_138 = arith.constant 128 : i32
      %parallel_loop3A_139 = arith.constant 1 : i32
      scf.for %parallel_loop3A_241 = %parallel_loop3A_137 to %parallel_loop3A_138 step %parallel_loop3A_139  : i32 {
        %parallel_loop3A_242 = arith.constant 128 : i32
        %parallel_loop3A_243 = arith.addi %parallel_loop3A_241, %parallel_loop3A_242 : i32
        %parallel_loop3A_244 = arith.index_cast %parallel_loop3A_243 : i32 to index
        %parallel_loop3A_245 = arith.constant 0 : index
        %parallel_loop3A_246 = tpu.vector_load %arg7[%parallel_loop3A_244, %parallel_loop3A_245] {strides = array<i32>} : memref<256x64xf32, #tpu.memory_space<vmem>>, vector<1x16xf32>,
        %parallel_loop3A_247 = vector.shape_cast %parallel_loop3A_246 : vector<1x16xf32> to vector<16xf32>
        %parallel_loop3A_248 = arith.constant 8.000000e+00 : f32
        %parallel_loop3A_249 = vector.broadcast %parallel_loop3A_248 : f32 to vector<16xf32>
        %parallel_loop3A_250 = arith.mulf %parallel_loop3A_247, %parallel_loop3A_249 : vector<16xf32>
        %parallel_loop3A_251 = arith.index_cast %parallel_loop3A_243 : i32 to index
        %parallel_loop3A_252 = arith.constant 0 : index
        %parallel_loop3A_253 = tpu.vector_load %arg7[%parallel_loop3A_251, %parallel_loop3A_252] {strides = array<i32>} : memref<256x64xf32, #tpu.memory_space<vmem>>, vector<1x16xf32>,
        %parallel_loop3A_254 = vector.shape_cast %parallel_loop3A_253 : vector<1x16xf32> to vector<16xf32>
        %parallel_loop3A_255 = vector.shape_cast %parallel_loop3A_250 : vector<16xf32> to vector<1x16xf32>
        tpu.vector_store %arg7[%parallel_loop3A_251, %parallel_loop3A_252], %parallel_loop3A_255 {strides = array<i32>} : memref<256x64xf32, #tpu.memory_space<vmem>>, vector<1x16xf32>,
        %parallel_loop3A_256 = arith.constant 128 : i32
        %parallel_loop3A_257 = arith.addi %parallel_loop3A_241, %parallel_loop3A_256 : i32
        %parallel_loop3A_258 = arith.index_cast %parallel_loop3A_257 : i32 to index
        %parallel_loop3A_259 = arith.constant 16 : index
        %parallel_loop3A_260 = tpu.vector_load %arg7[%parallel_loop3A_258, %parallel_loop3A_259] {strides = array<i32>} : memref<256x64xf32, #tpu.memory_space<vmem>>, vector<1x16xf32>,
        %parallel_loop3A_261 = vector.shape_cast %parallel_loop3A_260 : vector<1x16xf32> to vector<16xf32>
        %parallel_loop3A_262 = arith.constant 8.000000e+00 : f32
        %parallel_loop3A_263 = vector.broadcast %parallel_loop3A_262 : f32 to vector<16xf32>
        %parallel_loop3A_264 = arith.mulf %parallel_loop3A_261, %parallel_loop3A_263 : vector<16xf32>
        %parallel_loop3A_265 = arith.index_cast %parallel_loop3A_257 : i32 to index
        %parallel_loop3A_266 = arith.constant 16 : index
        %parallel_loop3A_267 = tpu.vector_load %arg7[%parallel_loop3A_265, %parallel_loop3A_266] {strides = array<i32>} : memref<256x64xf32, #tpu.memory_space<vmem>>, vector<1x16xf32>,
        %parallel_loop3A_268 = vector.shape_cast %parallel_loop3A_267 : vector<1x16xf32> to vector<16xf32>
        %parallel_loop3A_269 = vector.shape_cast %parallel_loop3A_264 : vector<16xf32> to vector<1x16xf32>
        tpu.vector_store %arg7[%parallel_loop3A_265, %parallel_loop3A_266], %parallel_loop3A_269 {strides = array<i32>} : memref<256x64xf32, #tpu.memory_space<vmem>>, vector<1x16xf32>,
        %parallel_loop3A_270 = arith.constant 128 : i32
        %parallel_loop3A_271 = arith.addi %parallel_loop3A_241, %parallel_loop3A_270 : i32
        %parallel_loop3A_272 = arith.index_cast %parallel_loop3A_271 : i32 to index
        %parallel_loop3A_273 = arith.constant 32 : index
        %parallel_loop3A_274 = tpu.vector_load %arg7[%parallel_loop3A_272, %parallel_loop3A_273] {strides = array<i32>} : memref<256x64xf32, #tpu.memory_space<vmem>>, vector<1x16xf32>,
        %parallel_loop3A_275 = vector.shape_cast %parallel_loop3A_274 : vector<1x16xf32> to vector<16xf32>
        %parallel_loop3A_276 = arith.constant 8.000000e+00 : f32
        %parallel_loop3A_277 = vector.broadcast %parallel_loop3A_276 : f32 to vector<16xf32>
        %parallel_loop3A_278 = arith.mulf %parallel_loop3A_275, %parallel_loop3A_277 : vector<16xf32>
        %parallel_loop3A_279 = arith.index_cast %parallel_loop3A_271 : i32 to index
        %parallel_loop3A_280 = arith.constant 32 : index
        %parallel_loop3A_281 = tpu.vector_load %arg7[%parallel_loop3A_279, %parallel_loop3A_280] {strides = array<i32>} : memref<256x64xf32, #tpu.memory_space<vmem>>, vector<1x16xf32>,
        %parallel_loop3A_282 = vector.shape_cast %parallel_loop3A_281 : vector<1x16xf32> to vector<16xf32>
        %parallel_loop3A_283 = vector.shape_cast %parallel_loop3A_278 : vector<16xf32> to vector<1x16xf32>
        tpu.vector_store %arg7[%parallel_loop3A_279, %parallel_loop3A_280], %parallel_loop3A_283 {strides = array<i32>} : memref<256x64xf32, #tpu.memory_space<vmem>>, vector<1x16xf32>,
        %parallel_loop3A_284 = arith.constant 128 : i32
        %parallel_loop3A_285 = arith.addi %parallel_loop3A_241, %parallel_loop3A_284 : i32
        %parallel_loop3A_286 = arith.index_cast %parallel_loop3A_285 : i32 to index
        %parallel_loop3A_287 = arith.constant 48 : index
        %parallel_loop3A_288 = tpu.vector_load %arg7[%parallel_loop3A_286, %parallel_loop3A_287] {strides = array<i32>} : memref<256x64xf32, #tpu.memory_space<vmem>>, vector<1x16xf32>,
        %parallel_loop3A_289 = vector.shape_cast %parallel_loop3A_288 : vector<1x16xf32> to vector<16xf32>
        %parallel_loop3A_290 = arith.constant 8.000000e+00 : f32
        %parallel_loop3A_291 = vector.broadcast %parallel_loop3A_290 : f32 to vector<16xf32>
        %parallel_loop3A_292 = arith.mulf %parallel_loop3A_289, %parallel_loop3A_291 : vector<16xf32>
        %parallel_loop3A_293 = arith.index_cast %parallel_loop3A_285 : i32 to index
        %parallel_loop3A_294 = arith.constant 48 : index
        %parallel_loop3A_295 = tpu.vector_load %arg7[%parallel_loop3A_293, %parallel_loop3A_294] {strides = array<i32>} : memref<256x64xf32, #tpu.memory_space<vmem>>, vector<1x16xf32>,
        %parallel_loop3A_296 = vector.shape_cast %parallel_loop3A_295 : vector<1x16xf32> to vector<16xf32>
        %parallel_loop3A_297 = vector.shape_cast %parallel_loop3A_292 : vector<16xf32> to vector<1x16xf32>
        tpu.vector_store %arg7[%parallel_loop3A_293, %parallel_loop3A_294], %parallel_loop3A_297 {strides = array<i32>} : memref<256x64xf32, #tpu.memory_space<vmem>>, vector<1x16xf32>,
      } {sc.loop_unroll_factor = 8 : i64, sc.parallel_access}
      %mul3A_140 = arith.constant 256 : i32
      %mul3A_141 = arith.muli %add3A_101, %mul3A_140 : i32
      %add3A_142 = arith.addi %mul3A_4, %mul3A_141 : i32
      %dma_start3A_143 = arith.constant 0 : i32
      %dma_start3A_144 = tpu.memref_slice %arg4[%add3A_142, %dma_start3A_143] : memref<819200x64xf32, #tpu.memory_space<hbm>> -> memref<256x64xf32, #tpu.memory_space<hbm>>
      %dma_start3A_145 = arith.constant 0 : i32
      %dma_start3A_146 = tpu.memref_slice %arg4[%add3A_142, %dma_start3A_145] : memref<819200x64xf32, #tpu.memory_space<hbm>> -> memref<256x64xf32, #tpu.memory_space<hbm>>
      tpu.enqueue_dma source(%arg7 : memref<256x64xf32, #tpu.memory_space<vmem>>) target(%dma_start3A_146 : memref<256x64xf32, #tpu.memory_space<hbm>>) target_semaphore(%arg15 : memref<!tpu.dma_semaphore, #tpu.memory_space<semaphore_mem>>)
      %add3A_147 = arith.constant 2 : i32
      %add3A_148 = arith.addi %mul3A_57, %add3A_147 : i32
      %ge3A_149 = arith.constant 2 : i32
      %ge3A_150 = arith.cmpi sge, %add3A_148, %ge3A_149 : i32
      %convert_element_type3A_151 = arith.extui %ge3A_150 : i1 to i32
      %cond3A_152 = arith.constant 0 : i32
      %cond3A_153 = arith.cmpi ne, %convert_element_type3A_151, %cond3A_152 : i32
      scf.if %cond3A_153 {
        %dma_wait3A_241 = arith.constant 0 : i32
        %dma_wait3A_242 = tpu.memref_slice %arg4[%mul3A_4, %dma_wait3A_241] : memref<819200x64xf32, #tpu.memory_space<hbm>> -> memref<256x64xf32, #tpu.memory_space<hbm>>
        %dma_wait3A_243 = arith.constant 0 : i32
        %dma_wait3A_244 = tpu.memref_slice %arg4[%mul3A_4, %dma_wait3A_243] : memref<819200x64xf32, #tpu.memory_space<hbm>> -> memref<256x64xf32, #tpu.memory_space<hbm>>
        tpu.wait_dma2 semaphore(%arg14 : memref<!tpu.dma_semaphore, #tpu.memory_space<semaphore_mem>>) src(%arg6 : memref<256x64xf32, #tpu.memory_space<vmem>>) dst(%dma_wait3A_244 : memref<256x64xf32, #tpu.memory_space<hbm>>)
      } else {
      }
      %add3A_154 = arith.constant 2 : i32
      %add3A_155 = arith.addi %add3A_148, %add3A_154 : i32
      %lt3A_156 = arith.constant 100 : i32
      %lt3A_157 = arith.cmpi slt, %add3A_155, %lt3A_156 : i32
      %convert_element_type3A_158 = arith.extui %lt3A_157 : i1 to i32
      %cond3A_159 = arith.constant 0 : i32
      %cond3A_160 = arith.cmpi ne, %convert_element_type3A_158, %cond3A_159 : i32
      scf.if %cond3A_160 {
        %add3A_241 = arith.constant 2 : i32
        %add3A_242 = arith.addi %add3A_148, %add3A_241 : i32
        %mul3A_243 = arith.constant 2 : i32
        %mul3A_244 = arith.muli %add3A_242, %mul3A_243 : i32
        %add3A_245 = arith.constant 0 : i32
        %add3A_246 = arith.addi %mul3A_244, %add3A_245 : i32
        %dma_start3A_247 = arith.constant 0 : i32
        %dma_start3A_248 = arith.constant 0 : i32
        %dma_start3A_249 = tpu.memref_slice %arg6[%dma_start3A_247, %dma_start3A_248] : memref<256x64xf32, #tpu.memory_space<vmem>> -> memref<128x64xf32, #tpu.memory_space<vmem>>
        %dma_start3A_250 = arith.constant 0 : i32
        %dma_start3A_251 = tpu.memref_slice %arg5[%add3A_246, %dma_start3A_250] : memref<200x128xi32, #tpu.memory_space<vmem>> -> memref<1x128xi32, #tpu.memory_space<vmem>>
        %dma_start3A_252 = tpu.memref_squeeze %dma_start3A_251 : memref<1x128xi32, #tpu.memory_space<vmem>> -> memref<128xi32, #tpu.memory_space<vmem>>
        %dma_start3A_253 = arith.constant 0 : i32
        %dma_start3A_254 = arith.constant 0 : i32
        %dma_start3A_255 = tpu.memref_slice %arg3[%dma_start3A_253, %dma_start3A_254] : memref<1000000x64xf32, #tpu.memory_space<hbm>> -> memref<1000000x64xf32, #tpu.memory_space<hbm>>
        tpu.enqueue_indirect_dma source(%dma_start3A_255 : memref<1000000x64xf32, #tpu.memory_space<hbm>>) target(%dma_start3A_249 : memref<128x64xf32, #tpu.memory_space<vmem>>) offsets(%dma_start3A_252 : memref<128xi32, #tpu.memory_space<vmem>>) semaphore(%arg10 : memref<!tpu.dma_semaphore, #tpu.memory_space<semaphore_mem>>)
        %mul3A_256 = arith.constant 2 : i32
        %mul3A_257 = arith.muli %add3A_242, %mul3A_256 : i32
        %add3A_258 = arith.constant 1 : i32
        %add3A_259 = arith.addi %mul3A_257, %add3A_258 : i32
        %dma_start3A_260 = arith.constant 128 : i32
        %dma_start3A_261 = arith.constant 0 : i32
        %dma_start3A_262 = tpu.memref_slice %arg6[%dma_start3A_260, %dma_start3A_261] : memref<256x64xf32, #tpu.memory_space<vmem>> -> memref<128x64xf32, #tpu.memory_space<vmem>>
        %dma_start3A_263 = arith.constant 0 : i32
        %dma_start3A_264 = tpu.memref_slice %arg5[%add3A_259, %dma_start3A_263] : memref<200x128xi32, #tpu.memory_space<vmem>> -> memref<1x128xi32, #tpu.memory_space<vmem>>
        %dma_start3A_265 = tpu.memref_squeeze %dma_start3A_264 : memref<1x128xi32, #tpu.memory_space<vmem>> -> memref<128xi32, #tpu.memory_space<vmem>>
        %dma_start3A_266 = arith.constant 0 : i32
        %dma_start3A_267 = arith.constant 0 : i32
        %dma_start3A_268 = tpu.memref_slice %arg3[%dma_start3A_266, %dma_start3A_267] : memref<1000000x64xf32, #tpu.memory_space<hbm>> -> memref<1000000x64xf32, #tpu.memory_space<hbm>>
        tpu.enqueue_indirect_dma source(%dma_start3A_268 : memref<1000000x64xf32, #tpu.memory_space<hbm>>) target(%dma_start3A_262 : memref<128x64xf32, #tpu.memory_space<vmem>>) offsets(%dma_start3A_265 : memref<128xi32, #tpu.memory_space<vmem>>) semaphore(%arg10 : memref<!tpu.dma_semaphore, #tpu.memory_space<semaphore_mem>>)
      } else {
      }
      %dma_wait3A_161 = arith.constant 0 : i32
      %dma_wait3A_162 = arith.constant 0 : i32
      %dma_wait3A_163 = arith.constant 0 : i32
      %dma_wait3A_164 = tpu.memref_slice %arg8[%dma_wait3A_162, %dma_wait3A_163] : memref<256x64xf32, #tpu.memory_space<vmem>> -> memref<128x64xf32, #tpu.memory_space<vmem>>
      %dma_wait3A_165 = arith.constant 0 : i32
      %dma_wait3A_166 = tpu.memref_slice %arg5[%dma_wait3A_161, %dma_wait3A_165] : memref<200x128xi32, #tpu.memory_space<vmem>> -> memref<1x128xi32, #tpu.memory_space<vmem>>
      %dma_wait3A_167 = tpu.memref_squeeze %dma_wait3A_166 : memref<1x128xi32, #tpu.memory_space<vmem>> -> memref<128xi32, #tpu.memory_space<vmem>>
      %dma_wait3A_168 = arith.constant 0 : i32
      %dma_wait3A_169 = arith.constant 0 : i32
      %dma_wait3A_170 = tpu.memref_slice %arg3[%dma_wait3A_168, %dma_wait3A_169] : memref<1000000x64xf32, #tpu.memory_space<hbm>> -> memref<1000000x64xf32, #tpu.memory_space<hbm>>
      tpu.wait_indirect_dma semaphore(%arg12 : memref<!tpu.dma_semaphore, #tpu.memory_space<semaphore_mem>>) src(%dma_wait3A_170 : memref<1000000x64xf32, #tpu.memory_space<hbm>>) dst(%dma_wait3A_164 : memref<128x64xf32, #tpu.memory_space<vmem>>)
      %parallel_loop3A_171 = arith.constant 0 : i32
      %parallel_loop3A_172 = arith.constant 128 : i32
      %parallel_loop3A_173 = arith.constant 1 : i32
      scf.for %parallel_loop3A_241 = %parallel_loop3A_171 to %parallel_loop3A_172 step %parallel_loop3A_173  : i32 {
        %parallel_loop3A_242 = arith.constant 0 : i32
        %parallel_loop3A_243 = arith.addi %parallel_loop3A_241, %parallel_loop3A_242 : i32
        %parallel_loop3A_244 = arith.index_cast %parallel_loop3A_243 : i32 to index
        %parallel_loop3A_245 = arith.constant 0 : index
        %parallel_loop3A_246 = tpu.vector_load %arg8[%parallel_loop3A_244, %parallel_loop3A_245] {strides = array<i32>} : memref<256x64xf32, #tpu.memory_space<vmem>>, vector<1x16xf32>,
        %parallel_loop3A_247 = vector.shape_cast %parallel_loop3A_246 : vector<1x16xf32> to vector<16xf32>
        %parallel_loop3A_248 = arith.constant 8.000000e+00 : f32
        %parallel_loop3A_249 = vector.broadcast %parallel_loop3A_248 : f32 to vector<16xf32>
        %parallel_loop3A_250 = arith.mulf %parallel_loop3A_247, %parallel_loop3A_249 : vector<16xf32>
        %parallel_loop3A_251 = arith.index_cast %parallel_loop3A_243 : i32 to index
        %parallel_loop3A_252 = arith.constant 0 : index
        %parallel_loop3A_253 = tpu.vector_load %arg8[%parallel_loop3A_251, %parallel_loop3A_252] {strides = array<i32>} : memref<256x64xf32, #tpu.memory_space<vmem>>, vector<1x16xf32>,
        %parallel_loop3A_254 = vector.shape_cast %parallel_loop3A_253 : vector<1x16xf32> to vector<16xf32>
        %parallel_loop3A_255 = vector.shape_cast %parallel_loop3A_250 : vector<16xf32> to vector<1x16xf32>
        tpu.vector_store %arg8[%parallel_loop3A_251, %parallel_loop3A_252], %parallel_loop3A_255 {strides = array<i32>} : memref<256x64xf32, #tpu.memory_space<vmem>>, vector<1x16xf32>,
        %parallel_loop3A_256 = arith.constant 0 : i32
        %parallel_loop3A_257 = arith.addi %parallel_loop3A_241, %parallel_loop3A_256 : i32
        %parallel_loop3A_258 = arith.index_cast %parallel_loop3A_257 : i32 to index
        %parallel_loop3A_259 = arith.constant 16 : index
        %parallel_loop3A_260 = tpu.vector_load %arg8[%parallel_loop3A_258, %parallel_loop3A_259] {strides = array<i32>} : memref<256x64xf32, #tpu.memory_space<vmem>>, vector<1x16xf32>,
        %parallel_loop3A_261 = vector.shape_cast %parallel_loop3A_260 : vector<1x16xf32> to vector<16xf32>
        %parallel_loop3A_262 = arith.constant 8.000000e+00 : f32
        %parallel_loop3A_263 = vector.broadcast %parallel_loop3A_262 : f32 to vector<16xf32>
        %parallel_loop3A_264 = arith.mulf %parallel_loop3A_261, %parallel_loop3A_263 : vector<16xf32>
        %parallel_loop3A_265 = arith.index_cast %parallel_loop3A_257 : i32 to index
        %parallel_loop3A_266 = arith.constant 16 : index
        %parallel_loop3A_267 = tpu.vector_load %arg8[%parallel_loop3A_265, %parallel_loop3A_266] {strides = array<i32>} : memref<256x64xf32, #tpu.memory_space<vmem>>, vector<1x16xf32>,
        %parallel_loop3A_268 = vector.shape_cast %parallel_loop3A_267 : vector<1x16xf32> to vector<16xf32>
        %parallel_loop3A_269 = vector.shape_cast %parallel_loop3A_264 : vector<16xf32> to vector<1x16xf32>
        tpu.vector_store %arg8[%parallel_loop3A_265, %parallel_loop3A_266], %parallel_loop3A_269 {strides = array<i32>} : memref<256x64xf32, #tpu.memory_space<vmem>>, vector<1x16xf32>,
        %parallel_loop3A_270 = arith.constant 0 : i32
        %parallel_loop3A_271 = arith.addi %parallel_loop3A_241, %parallel_loop3A_270 : i32
        %parallel_loop3A_272 = arith.index_cast %parallel_loop3A_271 : i32 to index
        %parallel_loop3A_273 = arith.constant 32 : index
        %parallel_loop3A_274 = tpu.vector_load %arg8[%parallel_loop3A_272, %parallel_loop3A_273] {strides = array<i32>} : memref<256x64xf32, #tpu.memory_space<vmem>>, vector<1x16xf32>,
        %parallel_loop3A_275 = vector.shape_cast %parallel_loop3A_274 : vector<1x16xf32> to vector<16xf32>
        %parallel_loop3A_276 = arith.constant 8.000000e+00 : f32
        %parallel_loop3A_277 = vector.broadcast %parallel_loop3A_276 : f32 to vector<16xf32>
        %parallel_loop3A_278 = arith.mulf %parallel_loop3A_275, %parallel_loop3A_277 : vector<16xf32>
        %parallel_loop3A_279 = arith.index_cast %parallel_loop3A_271 : i32 to index
        %parallel_loop3A_280 = arith.constant 32 : index
        %parallel_loop3A_281 = tpu.vector_load %arg8[%parallel_loop3A_279, %parallel_loop3A_280] {strides = array<i32>} : memref<256x64xf32, #tpu.memory_space<vmem>>, vector<1x16xf32>,
        %parallel_loop3A_282 = vector.shape_cast %parallel_loop3A_281 : vector<1x16xf32> to vector<16xf32>
        %parallel_loop3A_283 = vector.shape_cast %parallel_loop3A_278 : vector<16xf32> to vector<1x16xf32>
        tpu.vector_store %arg8[%parallel_loop3A_279, %parallel_loop3A_280], %parallel_loop3A_283 {strides = array<i32>} : memref<256x64xf32, #tpu.memory_space<vmem>>, vector<1x16xf32>,
        %parallel_loop3A_284 = arith.constant 0 : i32
        %parallel_loop3A_285 = arith.addi %parallel_loop3A_241, %parallel_loop3A_284 : i32
        %parallel_loop3A_286 = arith.index_cast %parallel_loop3A_285 : i32 to index
        %parallel_loop3A_287 = arith.constant 48 : index
        %parallel_loop3A_288 = tpu.vector_load %arg8[%parallel_loop3A_286, %parallel_loop3A_287] {strides = array<i32>} : memref<256x64xf32, #tpu.memory_space<vmem>>, vector<1x16xf32>,
        %parallel_loop3A_289 = vector.shape_cast %parallel_loop3A_288 : vector<1x16xf32> to vector<16xf32>
        %parallel_loop3A_290 = arith.constant 8.000000e+00 : f32
        %parallel_loop3A_291 = vector.broadcast %parallel_loop3A_290 : f32 to vector<16xf32>
        %parallel_loop3A_292 = arith.mulf %parallel_loop3A_289, %parallel_loop3A_291 : vector<16xf32>
        %parallel_loop3A_293 = arith.index_cast %parallel_loop3A_285 : i32 to index
        %parallel_loop3A_294 = arith.constant 48 : index
        %parallel_loop3A_295 = tpu.vector_load %arg8[%parallel_loop3A_293, %parallel_loop3A_294] {strides = array<i32>} : memref<256x64xf32, #tpu.memory_space<vmem>>, vector<1x16xf32>,
        %parallel_loop3A_296 = vector.shape_cast %parallel_loop3A_295 : vector<1x16xf32> to vector<16xf32>
        %parallel_loop3A_297 = vector.shape_cast %parallel_loop3A_292 : vector<16xf32> to vector<1x16xf32>
        tpu.vector_store %arg8[%parallel_loop3A_293, %parallel_loop3A_294], %parallel_loop3A_297 {strides = array<i32>} : memref<256x64xf32, #tpu.memory_space<vmem>>, vector<1x16xf32>,
      } {sc.loop_unroll_factor = 8 : i64, sc.parallel_access}
      %dma_wait3A_174 = arith.constant 0 : i32
      %dma_wait3A_175 = arith.constant 128 : i32
      %dma_wait3A_176 = arith.constant 0 : i32
      %dma_wait3A_177 = tpu.memref_slice %arg8[%dma_wait3A_175, %dma_wait3A_176] : memref<256x64xf32, #tpu.memory_space<vmem>> -> memref<128x64xf32, #tpu.memory_space<vmem>>
      %dma_wait3A_178 = arith.constant 0 : i32
      %dma_wait3A_179 = tpu.memref_slice %arg5[%dma_wait3A_174, %dma_wait3A_178] : memref<200x128xi32, #tpu.memory_space<vmem>> -> memref<1x128xi32, #tpu.memory_space<vmem>>
      %dma_wait3A_180 = tpu.memref_squeeze %dma_wait3A_179 : memref<1x128xi32, #tpu.memory_space<vmem>> -> memref<128xi32, #tpu.memory_space<vmem>>
      %dma_wait3A_181 = arith.constant 0 : i32
      %dma_wait3A_182 = arith.constant 0 : i32
      %dma_wait3A_183 = tpu.memref_slice %arg3[%dma_wait3A_181, %dma_wait3A_182] : memref<1000000x64xf32, #tpu.memory_space<hbm>> -> memref<1000000x64xf32, #tpu.memory_space<hbm>>
      tpu.wait_indirect_dma semaphore(%arg12 : memref<!tpu.dma_semaphore, #tpu.memory_space<semaphore_mem>>) src(%dma_wait3A_183 : memref<1000000x64xf32, #tpu.memory_space<hbm>>) dst(%dma_wait3A_177 : memref<128x64xf32, #tpu.memory_space<vmem>>)
      %parallel_loop3A_184 = arith.constant 0 : i32
      %parallel_loop3A_185 = arith.constant 128 : i32
      %parallel_loop3A_186 = arith.constant 1 : i32
      scf.for %parallel_loop3A_241 = %parallel_loop3A_184 to %parallel_loop3A_185 step %parallel_loop3A_186  : i32 {
        %parallel_loop3A_242 = arith.constant 128 : i32
        %parallel_loop3A_243 = arith.addi %parallel_loop3A_241, %parallel_loop3A_242 : i32
        %parallel_loop3A_244 = arith.index_cast %parallel_loop3A_243 : i32 to index
        %parallel_loop3A_245 = arith.constant 0 : index
        %parallel_loop3A_246 = tpu.vector_load %arg8[%parallel_loop3A_244, %parallel_loop3A_245] {strides = array<i32>} : memref<256x64xf32, #tpu.memory_space<vmem>>, vector<1x16xf32>,
        %parallel_loop3A_247 = vector.shape_cast %parallel_loop3A_246 : vector<1x16xf32> to vector<16xf32>
        %parallel_loop3A_248 = arith.constant 8.000000e+00 : f32
        %parallel_loop3A_249 = vector.broadcast %parallel_loop3A_248 : f32 to vector<16xf32>
        %parallel_loop3A_250 = arith.mulf %parallel_loop3A_247, %parallel_loop3A_249 : vector<16xf32>
        %parallel_loop3A_251 = arith.index_cast %parallel_loop3A_243 : i32 to index
        %parallel_loop3A_252 = arith.constant 0 : index
        %parallel_loop3A_253 = tpu.vector_load %arg8[%parallel_loop3A_251, %parallel_loop3A_252] {strides = array<i32>} : memref<256x64xf32, #tpu.memory_space<vmem>>, vector<1x16xf32>,
        %parallel_loop3A_254 = vector.shape_cast %parallel_loop3A_253 : vector<1x16xf32> to vector<16xf32>
        %parallel_loop3A_255 = vector.shape_cast %parallel_loop3A_250 : vector<16xf32> to vector<1x16xf32>
        tpu.vector_store %arg8[%parallel_loop3A_251, %parallel_loop3A_252], %parallel_loop3A_255 {strides = array<i32>} : memref<256x64xf32, #tpu.memory_space<vmem>>, vector<1x16xf32>,
        %parallel_loop3A_256 = arith.constant 128 : i32
        %parallel_loop3A_257 = arith.addi %parallel_loop3A_241, %parallel_loop3A_256 : i32
        %parallel_loop3A_258 = arith.index_cast %parallel_loop3A_257 : i32 to index
        %parallel_loop3A_259 = arith.constant 16 : index
        %parallel_loop3A_260 = tpu.vector_load %arg8[%parallel_loop3A_258, %parallel_loop3A_259] {strides = array<i32>} : memref<256x64xf32, #tpu.memory_space<vmem>>, vector<1x16xf32>,
        %parallel_loop3A_261 = vector.shape_cast %parallel_loop3A_260 : vector<1x16xf32> to vector<16xf32>
        %parallel_loop3A_262 = arith.constant 8.000000e+00 : f32
        %parallel_loop3A_263 = vector.broadcast %parallel_loop3A_262 : f32 to vector<16xf32>
        %parallel_loop3A_264 = arith.mulf %parallel_loop3A_261, %parallel_loop3A_263 : vector<16xf32>
        %parallel_loop3A_265 = arith.index_cast %parallel_loop3A_257 : i32 to index
        %parallel_loop3A_266 = arith.constant 16 : index
        %parallel_loop3A_267 = tpu.vector_load %arg8[%parallel_loop3A_265, %parallel_loop3A_266] {strides = array<i32>} : memref<256x64xf32, #tpu.memory_space<vmem>>, vector<1x16xf32>,
        %parallel_loop3A_268 = vector.shape_cast %parallel_loop3A_267 : vector<1x16xf32> to vector<16xf32>
        %parallel_loop3A_269 = vector.shape_cast %parallel_loop3A_264 : vector<16xf32> to vector<1x16xf32>
        tpu.vector_store %arg8[%parallel_loop3A_265, %parallel_loop3A_266], %parallel_loop3A_269 {strides = array<i32>} : memref<256x64xf32, #tpu.memory_space<vmem>>, vector<1x16xf32>,
        %parallel_loop3A_270 = arith.constant 128 : i32
        %parallel_loop3A_271 = arith.addi %parallel_loop3A_241, %parallel_loop3A_270 : i32
        %parallel_loop3A_272 = arith.index_cast %parallel_loop3A_271 : i32 to index
        %parallel_loop3A_273 = arith.constant 32 : index
        %parallel_loop3A_274 = tpu.vector_load %arg8[%parallel_loop3A_272, %parallel_loop3A_273] {strides = array<i32>} : memref<256x64xf32, #tpu.memory_space<vmem>>, vector<1x16xf32>,
        %parallel_loop3A_275 = vector.shape_cast %parallel_loop3A_274 : vector<1x16xf32> to vector<16xf32>
        %parallel_loop3A_276 = arith.constant 8.000000e+00 : f32
        %parallel_loop3A_277 = vector.broadcast %parallel_loop3A_276 : f32 to vector<16xf32>
        %parallel_loop3A_278 = arith.mulf %parallel_loop3A_275, %parallel_loop3A_277 : vector<16xf32>
        %parallel_loop3A_279 = arith.index_cast %parallel_loop3A_271 : i32 to index
        %parallel_loop3A_280 = arith.constant 32 : index
        %parallel_loop3A_281 = tpu.vector_load %arg8[%parallel_loop3A_279, %parallel_loop3A_280] {strides = array<i32>} : memref<256x64xf32, #tpu.memory_space<vmem>>, vector<1x16xf32>,
        %parallel_loop3A_282 = vector.shape_cast %parallel_loop3A_281 : vector<1x16xf32> to vector<16xf32>
        %parallel_loop3A_283 = vector.shape_cast %parallel_loop3A_278 : vector<16xf32> to vector<1x16xf32>
        tpu.vector_store %arg8[%parallel_loop3A_279, %parallel_loop3A_280], %parallel_loop3A_283 {strides = array<i32>} : memref<256x64xf32, #tpu.memory_space<vmem>>, vector<1x16xf32>,
        %parallel_loop3A_284 = arith.constant 128 : i32
        %parallel_loop3A_285 = arith.addi %parallel_loop3A_241, %parallel_loop3A_284 : i32
        %parallel_loop3A_286 = arith.index_cast %parallel_loop3A_285 : i32 to index
        %parallel_loop3A_287 = arith.constant 48 : index
        %parallel_loop3A_288 = tpu.vector_load %arg8[%parallel_loop3A_286, %parallel_loop3A_287] {strides = array<i32>} : memref<256x64xf32, #tpu.memory_space<vmem>>, vector<1x16xf32>,
        %parallel_loop3A_289 = vector.shape_cast %parallel_loop3A_288 : vector<1x16xf32> to vector<16xf32>
        %parallel_loop3A_290 = arith.constant 8.000000e+00 : f32
        %parallel_loop3A_291 = vector.broadcast %parallel_loop3A_290 : f32 to vector<16xf32>
        %parallel_loop3A_292 = arith.mulf %parallel_loop3A_289, %parallel_loop3A_291 : vector<16xf32>
        %parallel_loop3A_293 = arith.index_cast %parallel_loop3A_285 : i32 to index
        %parallel_loop3A_294 = arith.constant 48 : index
        %parallel_loop3A_295 = tpu.vector_load %arg8[%parallel_loop3A_293, %parallel_loop3A_294] {strides = array<i32>} : memref<256x64xf32, #tpu.memory_space<vmem>>, vector<1x16xf32>,
        %parallel_loop3A_296 = vector.shape_cast %parallel_loop3A_295 : vector<1x16xf32> to vector<16xf32>
        %parallel_loop3A_297 = vector.shape_cast %parallel_loop3A_292 : vector<16xf32> to vector<1x16xf32>
        tpu.vector_store %arg8[%parallel_loop3A_293, %parallel_loop3A_294], %parallel_loop3A_297 {strides = array<i32>} : memref<256x64xf32, #tpu.memory_space<vmem>>, vector<1x16xf32>,
      } {sc.loop_unroll_factor = 8 : i64, sc.parallel_access}
      %mul3A_187 = arith.constant 256 : i32
      %mul3A_188 = arith.muli %add3A_148, %mul3A_187 : i32
      %add3A_189 = arith.addi %mul3A_4, %mul3A_188 : i32
      %dma_start3A_190 = arith.constant 0 : i32
      %dma_start3A_191 = tpu.memref_slice %arg4[%add3A_189, %dma_start3A_190] : memref<819200x64xf32, #tpu.memory_space<hbm>> -> memref<256x64xf32, #tpu.memory_space<hbm>>
      %dma_start3A_192 = arith.constant 0 : i32
      %dma_start3A_193 = tpu.memref_slice %arg4[%add3A_189, %dma_start3A_192] : memref<819200x64xf32, #tpu.memory_space<hbm>> -> memref<256x64xf32, #tpu.memory_space<hbm>>
      tpu.enqueue_dma source(%arg8 : memref<256x64xf32, #tpu.memory_space<vmem>>) target(%dma_start3A_193 : memref<256x64xf32, #tpu.memory_space<hbm>>) target_semaphore(%arg16 : memref<!tpu.dma_semaphore, #tpu.memory_space<semaphore_mem>>)
      %add3A_194 = arith.constant 3 : i32
      %add3A_195 = arith.addi %mul3A_57, %add3A_194 : i32
      %ge3A_196 = arith.constant 2 : i32
      %ge3A_197 = arith.cmpi sge, %add3A_195, %ge3A_196 : i32
      %convert_element_type3A_198 = arith.extui %ge3A_197 : i1 to i32
      %cond3A_199 = arith.constant 0 : i32
      %cond3A_200 = arith.cmpi ne, %convert_element_type3A_198, %cond3A_199 : i32
      scf.if %cond3A_200 {
        %dma_wait3A_241 = arith.constant 0 : i32
        %dma_wait3A_242 = tpu.memref_slice %arg4[%mul3A_4, %dma_wait3A_241] : memref<819200x64xf32, #tpu.memory_space<hbm>> -> memref<256x64xf32, #tpu.memory_space<hbm>>
        %dma_wait3A_243 = arith.constant 0 : i32
        %dma_wait3A_244 = tpu.memref_slice %arg4[%mul3A_4, %dma_wait3A_243] : memref<819200x64xf32, #tpu.memory_space<hbm>> -> memref<256x64xf32, #tpu.memory_space<hbm>>
        tpu.wait_dma2 semaphore(%arg15 : memref<!tpu.dma_semaphore, #tpu.memory_space<semaphore_mem>>) src(%arg7 : memref<256x64xf32, #tpu.memory_space<vmem>>) dst(%dma_wait3A_244 : memref<256x64xf32, #tpu.memory_space<hbm>>)
      } else {
      }
      %add3A_201 = arith.constant 2 : i32
      %add3A_202 = arith.addi %add3A_195, %add3A_201 : i32
      %lt3A_203 = arith.constant 100 : i32
      %lt3A_204 = arith.cmpi slt, %add3A_202, %lt3A_203 : i32
      %convert_element_type3A_205 = arith.extui %lt3A_204 : i1 to i32
      %cond3A_206 = arith.constant 0 : i32
      %cond3A_207 = arith.cmpi ne, %convert_element_type3A_205, %cond3A_206 : i32
      scf.if %cond3A_207 {
        %add3A_241 = arith.constant 2 : i32
        %add3A_242 = arith.addi %add3A_195, %add3A_241 : i32
        %mul3A_243 = arith.constant 2 : i32
        %mul3A_244 = arith.muli %add3A_242, %mul3A_243 : i32
        %add3A_245 = arith.constant 0 : i32
        %add3A_246 = arith.addi %mul3A_244, %add3A_245 : i32
        %dma_start3A_247 = arith.constant 0 : i32
        %dma_start3A_248 = arith.constant 0 : i32
        %dma_start3A_249 = tpu.memref_slice %arg7[%dma_start3A_247, %dma_start3A_248] : memref<256x64xf32, #tpu.memory_space<vmem>> -> memref<128x64xf32, #tpu.memory_space<vmem>>
        %dma_start3A_250 = arith.constant 0 : i32
        %dma_start3A_251 = tpu.memref_slice %arg5[%add3A_246, %dma_start3A_250] : memref<200x128xi32, #tpu.memory_space<vmem>> -> memref<1x128xi32, #tpu.memory_space<vmem>>
        %dma_start3A_252 = tpu.memref_squeeze %dma_start3A_251 : memref<1x128xi32, #tpu.memory_space<vmem>> -> memref<128xi32, #tpu.memory_space<vmem>>
        %dma_start3A_253 = arith.constant 0 : i32
        %dma_start3A_254 = arith.constant 0 : i32
        %dma_start3A_255 = tpu.memref_slice %arg3[%dma_start3A_253, %dma_start3A_254] : memref<1000000x64xf32, #tpu.memory_space<hbm>> -> memref<1000000x64xf32, #tpu.memory_space<hbm>>
        tpu.enqueue_indirect_dma source(%dma_start3A_255 : memref<1000000x64xf32, #tpu.memory_space<hbm>>) target(%dma_start3A_249 : memref<128x64xf32, #tpu.memory_space<vmem>>) offsets(%dma_start3A_252 : memref<128xi32, #tpu.memory_space<vmem>>) semaphore(%arg11 : memref<!tpu.dma_semaphore, #tpu.memory_space<semaphore_mem>>)
        %mul3A_256 = arith.constant 2 : i32
        %mul3A_257 = arith.muli %add3A_242, %mul3A_256 : i32
        %add3A_258 = arith.constant 1 : i32
        %add3A_259 = arith.addi %mul3A_257, %add3A_258 : i32
        %dma_start3A_260 = arith.constant 128 : i32
        %dma_start3A_261 = arith.constant 0 : i32
        %dma_start3A_262 = tpu.memref_slice %arg7[%dma_start3A_260, %dma_start3A_261] : memref<256x64xf32, #tpu.memory_space<vmem>> -> memref<128x64xf32, #tpu.memory_space<vmem>>
        %dma_start3A_263 = arith.constant 0 : i32
        %dma_start3A_264 = tpu.memref_slice %arg5[%add3A_259, %dma_start3A_263] : memref<200x128xi32, #tpu.memory_space<vmem>> -> memref<1x128xi32, #tpu.memory_space<vmem>>
        %dma_start3A_265 = tpu.memref_squeeze %dma_start3A_264 : memref<1x128xi32, #tpu.memory_space<vmem>> -> memref<128xi32, #tpu.memory_space<vmem>>
        %dma_start3A_266 = arith.constant 0 : i32
        %dma_start3A_267 = arith.constant 0 : i32
        %dma_start3A_268 = tpu.memref_slice %arg3[%dma_start3A_266, %dma_start3A_267] : memref<1000000x64xf32, #tpu.memory_space<hbm>> -> memref<1000000x64xf32, #tpu.memory_space<hbm>>
        tpu.enqueue_indirect_dma source(%dma_start3A_268 : memref<1000000x64xf32, #tpu.memory_space<hbm>>) target(%dma_start3A_262 : memref<128x64xf32, #tpu.memory_space<vmem>>) offsets(%dma_start3A_265 : memref<128xi32, #tpu.memory_space<vmem>>) semaphore(%arg11 : memref<!tpu.dma_semaphore, #tpu.memory_space<semaphore_mem>>)
      } else {
      }
      %dma_wait3A_208 = arith.constant 0 : i32
      %dma_wait3A_209 = arith.constant 0 : i32
      %dma_wait3A_210 = arith.constant 0 : i32
      %dma_wait3A_211 = tpu.memref_slice %arg9[%dma_wait3A_209, %dma_wait3A_210] : memref<256x64xf32, #tpu.memory_space<vmem>> -> memref<128x64xf32, #tpu.memory_space<vmem>>
      %dma_wait3A_212 = arith.constant 0 : i32
      %dma_wait3A_213 = tpu.memref_slice %arg5[%dma_wait3A_208, %dma_wait3A_212] : memref<200x128xi32, #tpu.memory_space<vmem>> -> memref<1x128xi32, #tpu.memory_space<vmem>>
      %dma_wait3A_214 = tpu.memref_squeeze %dma_wait3A_213 : memref<1x128xi32, #tpu.memory_space<vmem>> -> memref<128xi32, #tpu.memory_space<vmem>>
      %dma_wait3A_215 = arith.constant 0 : i32
      %dma_wait3A_216 = arith.constant 0 : i32
      %dma_wait3A_217 = tpu.memref_slice %arg3[%dma_wait3A_215, %dma_wait3A_216] : memref<1000000x64xf32, #tpu.memory_space<hbm>> -> memref<1000000x64xf32, #tpu.memory_space<hbm>>
      tpu.wait_indirect_dma semaphore(%arg13 : memref<!tpu.dma_semaphore, #tpu.memory_space<semaphore_mem>>) src(%dma_wait3A_217 : memref<1000000x64xf32, #tpu.memory_space<hbm>>) dst(%dma_wait3A_211 : memref<128x64xf32, #tpu.memory_space<vmem>>)
      %parallel_loop3A_218 = arith.constant 0 : i32
      %parallel_loop3A_219 = arith.constant 128 : i32
      %parallel_loop3A_220 = arith.constant 1 : i32
      scf.for %parallel_loop3A_241 = %parallel_loop3A_218 to %parallel_loop3A_219 step %parallel_loop3A_220  : i32 {
        %parallel_loop3A_242 = arith.constant 0 : i32
        %parallel_loop3A_243 = arith.addi %parallel_loop3A_241, %parallel_loop3A_242 : i32
        %parallel_loop3A_244 = arith.index_cast %parallel_loop3A_243 : i32 to index
        %parallel_loop3A_245 = arith.constant 0 : index
        %parallel_loop3A_246 = tpu.vector_load %arg9[%parallel_loop3A_244, %parallel_loop3A_245] {strides = array<i32>} : memref<256x64xf32, #tpu.memory_space<vmem>>, vector<1x16xf32>,
        %parallel_loop3A_247 = vector.shape_cast %parallel_loop3A_246 : vector<1x16xf32> to vector<16xf32>
        %parallel_loop3A_248 = arith.constant 8.000000e+00 : f32
        %parallel_loop3A_249 = vector.broadcast %parallel_loop3A_248 : f32 to vector<16xf32>
        %parallel_loop3A_250 = arith.mulf %parallel_loop3A_247, %parallel_loop3A_249 : vector<16xf32>
        %parallel_loop3A_251 = arith.index_cast %parallel_loop3A_243 : i32 to index
        %parallel_loop3A_252 = arith.constant 0 : index
        %parallel_loop3A_253 = tpu.vector_load %arg9[%parallel_loop3A_251, %parallel_loop3A_252] {strides = array<i32>} : memref<256x64xf32, #tpu.memory_space<vmem>>, vector<1x16xf32>,
        %parallel_loop3A_254 = vector.shape_cast %parallel_loop3A_253 : vector<1x16xf32> to vector<16xf32>
        %parallel_loop3A_255 = vector.shape_cast %parallel_loop3A_250 : vector<16xf32> to vector<1x16xf32>
        tpu.vector_store %arg9[%parallel_loop3A_251, %parallel_loop3A_252], %parallel_loop3A_255 {strides = array<i32>} : memref<256x64xf32, #tpu.memory_space<vmem>>, vector<1x16xf32>,
        %parallel_loop3A_256 = arith.constant 0 : i32
        %parallel_loop3A_257 = arith.addi %parallel_loop3A_241, %parallel_loop3A_256 : i32
        %parallel_loop3A_258 = arith.index_cast %parallel_loop3A_257 : i32 to index
        %parallel_loop3A_259 = arith.constant 16 : index
        %parallel_loop3A_260 = tpu.vector_load %arg9[%parallel_loop3A_258, %parallel_loop3A_259] {strides = array<i32>} : memref<256x64xf32, #tpu.memory_space<vmem>>, vector<1x16xf32>,
        %parallel_loop3A_261 = vector.shape_cast %parallel_loop3A_260 : vector<1x16xf32> to vector<16xf32>
        %parallel_loop3A_262 = arith.constant 8.000000e+00 : f32
        %parallel_loop3A_263 = vector.broadcast %parallel_loop3A_262 : f32 to vector<16xf32>
        %parallel_loop3A_264 = arith.mulf %parallel_loop3A_261, %parallel_loop3A_263 : vector<16xf32>
        %parallel_loop3A_265 = arith.index_cast %parallel_loop3A_257 : i32 to index
        %parallel_loop3A_266 = arith.constant 16 : index
        %parallel_loop3A_267 = tpu.vector_load %arg9[%parallel_loop3A_265, %parallel_loop3A_266] {strides = array<i32>} : memref<256x64xf32, #tpu.memory_space<vmem>>, vector<1x16xf32>,
        %parallel_loop3A_268 = vector.shape_cast %parallel_loop3A_267 : vector<1x16xf32> to vector<16xf32>
        %parallel_loop3A_269 = vector.shape_cast %parallel_loop3A_264 : vector<16xf32> to vector<1x16xf32>
        tpu.vector_store %arg9[%parallel_loop3A_265, %parallel_loop3A_266], %parallel_loop3A_269 {strides = array<i32>} : memref<256x64xf32, #tpu.memory_space<vmem>>, vector<1x16xf32>,
        %parallel_loop3A_270 = arith.constant 0 : i32
        %parallel_loop3A_271 = arith.addi %parallel_loop3A_241, %parallel_loop3A_270 : i32
        %parallel_loop3A_272 = arith.index_cast %parallel_loop3A_271 : i32 to index
        %parallel_loop3A_273 = arith.constant 32 : index
        %parallel_loop3A_274 = tpu.vector_load %arg9[%parallel_loop3A_272, %parallel_loop3A_273] {strides = array<i32>} : memref<256x64xf32, #tpu.memory_space<vmem>>, vector<1x16xf32>,
        %parallel_loop3A_275 = vector.shape_cast %parallel_loop3A_274 : vector<1x16xf32> to vector<16xf32>
        %parallel_loop3A_276 = arith.constant 8.000000e+00 : f32
        %parallel_loop3A_277 = vector.broadcast %parallel_loop3A_276 : f32 to vector<16xf32>
        %parallel_loop3A_278 = arith.mulf %parallel_loop3A_275, %parallel_loop3A_277 : vector<16xf32>
        %parallel_loop3A_279 = arith.index_cast %parallel_loop3A_271 : i32 to index
        %parallel_loop3A_280 = arith.constant 32 : index
        %parallel_loop3A_281 = tpu.vector_load %arg9[%parallel_loop3A_279, %parallel_loop3A_280] {strides = array<i32>} : memref<256x64xf32, #tpu.memory_space<vmem>>, vector<1x16xf32>,
        %parallel_loop3A_282 = vector.shape_cast %parallel_loop3A_281 : vector<1x16xf32> to vector<16xf32>
        %parallel_loop3A_283 = vector.shape_cast %parallel_loop3A_278 : vector<16xf32> to vector<1x16xf32>
        tpu.vector_store %arg9[%parallel_loop3A_279, %parallel_loop3A_280], %parallel_loop3A_283 {strides = array<i32>} : memref<256x64xf32, #tpu.memory_space<vmem>>, vector<1x16xf32>,
        %parallel_loop3A_284 = arith.constant 0 : i32
        %parallel_loop3A_285 = arith.addi %parallel_loop3A_241, %parallel_loop3A_284 : i32
        %parallel_loop3A_286 = arith.index_cast %parallel_loop3A_285 : i32 to index
        %parallel_loop3A_287 = arith.constant 48 : index
        %parallel_loop3A_288 = tpu.vector_load %arg9[%parallel_loop3A_286, %parallel_loop3A_287] {strides = array<i32>} : memref<256x64xf32, #tpu.memory_space<vmem>>, vector<1x16xf32>,
        %parallel_loop3A_289 = vector.shape_cast %parallel_loop3A_288 : vector<1x16xf32> to vector<16xf32>
        %parallel_loop3A_290 = arith.constant 8.000000e+00 : f32
        %parallel_loop3A_291 = vector.broadcast %parallel_loop3A_290 : f32 to vector<16xf32>
        %parallel_loop3A_292 = arith.mulf %parallel_loop3A_289, %parallel_loop3A_291 : vector<16xf32>
        %parallel_loop3A_293 = arith.index_cast %parallel_loop3A_285 : i32 to index
        %parallel_loop3A_294 = arith.constant 48 : index
        %parallel_loop3A_295 = tpu.vector_load %arg9[%parallel_loop3A_293, %parallel_loop3A_294] {strides = array<i32>} : memref<256x64xf32, #tpu.memory_space<vmem>>, vector<1x16xf32>,
        %parallel_loop3A_296 = vector.shape_cast %parallel_loop3A_295 : vector<1x16xf32> to vector<16xf32>
        %parallel_loop3A_297 = vector.shape_cast %parallel_loop3A_292 : vector<16xf32> to vector<1x16xf32>
        tpu.vector_store %arg9[%parallel_loop3A_293, %parallel_loop3A_294], %parallel_loop3A_297 {strides = array<i32>} : memref<256x64xf32, #tpu.memory_space<vmem>>, vector<1x16xf32>,
      } {sc.loop_unroll_factor = 8 : i64, sc.parallel_access}
      %dma_wait3A_221 = arith.constant 0 : i32
      %dma_wait3A_222 = arith.constant 128 : i32
      %dma_wait3A_223 = arith.constant 0 : i32
      %dma_wait3A_224 = tpu.memref_slice %arg9[%dma_wait3A_222, %dma_wait3A_223] : memref<256x64xf32, #tpu.memory_space<vmem>> -> memref<128x64xf32, #tpu.memory_space<vmem>>
      %dma_wait3A_225 = arith.constant 0 : i32
      %dma_wait3A_226 = tpu.memref_slice %arg5[%dma_wait3A_221, %dma_wait3A_225] : memref<200x128xi32, #tpu.memory_space<vmem>> -> memref<1x128xi32, #tpu.memory_space<vmem>>
      %dma_wait3A_227 = tpu.memref_squeeze %dma_wait3A_226 : memref<1x128xi32, #tpu.memory_space<vmem>> -> memref<128xi32, #tpu.memory_space<vmem>>
      %dma_wait3A_228 = arith.constant 0 : i32
      %dma_wait3A_229 = arith.constant 0 : i32
      %dma_wait3A_230 = tpu.memref_slice %arg3[%dma_wait3A_228, %dma_wait3A_229] : memref<1000000x64xf32, #tpu.memory_space<hbm>> -> memref<1000000x64xf32, #tpu.memory_space<hbm>>
      tpu.wait_indirect_dma semaphore(%arg13 : memref<!tpu.dma_semaphore, #tpu.memory_space<semaphore_mem>>) src(%dma_wait3A_230 : memref<1000000x64xf32, #tpu.memory_space<hbm>>) dst(%dma_wait3A_224 : memref<128x64xf32, #tpu.memory_space<vmem>>)
      %parallel_loop3A_231 = arith.constant 0 : i32
      %parallel_loop3A_232 = arith.constant 128 : i32
      %parallel_loop3A_233 = arith.constant 1 : i32
      scf.for %parallel_loop3A_241 = %parallel_loop3A_231 to %parallel_loop3A_232 step %parallel_loop3A_233  : i32 {
        %parallel_loop3A_242 = arith.constant 128 : i32
        %parallel_loop3A_243 = arith.addi %parallel_loop3A_241, %parallel_loop3A_242 : i32
        %parallel_loop3A_244 = arith.index_cast %parallel_loop3A_243 : i32 to index
        %parallel_loop3A_245 = arith.constant 0 : index
        %parallel_loop3A_246 = tpu.vector_load %arg9[%parallel_loop3A_244, %parallel_loop3A_245] {strides = array<i32>} : memref<256x64xf32, #tpu.memory_space<vmem>>, vector<1x16xf32>,
        %parallel_loop3A_247 = vector.shape_cast %parallel_loop3A_246 : vector<1x16xf32> to vector<16xf32>
        %parallel_loop3A_248 = arith.constant 8.000000e+00 : f32
        %parallel_loop3A_249 = vector.broadcast %parallel_loop3A_248 : f32 to vector<16xf32>
        %parallel_loop3A_250 = arith.mulf %parallel_loop3A_247, %parallel_loop3A_249 : vector<16xf32>
        %parallel_loop3A_251 = arith.index_cast %parallel_loop3A_243 : i32 to index
        %parallel_loop3A_252 = arith.constant 0 : index
        %parallel_loop3A_253 = tpu.vector_load %arg9[%parallel_loop3A_251, %parallel_loop3A_252] {strides = array<i32>} : memref<256x64xf32, #tpu.memory_space<vmem>>, vector<1x16xf32>,
        %parallel_loop3A_254 = vector.shape_cast %parallel_loop3A_253 : vector<1x16xf32> to vector<16xf32>
        %parallel_loop3A_255 = vector.shape_cast %parallel_loop3A_250 : vector<16xf32> to vector<1x16xf32>
        tpu.vector_store %arg9[%parallel_loop3A_251, %parallel_loop3A_252], %parallel_loop3A_255 {strides = array<i32>} : memref<256x64xf32, #tpu.memory_space<vmem>>, vector<1x16xf32>,
        %parallel_loop3A_256 = arith.constant 128 : i32
        %parallel_loop3A_257 = arith.addi %parallel_loop3A_241, %parallel_loop3A_256 : i32
        %parallel_loop3A_258 = arith.index_cast %parallel_loop3A_257 : i32 to index
        %parallel_loop3A_259 = arith.constant 16 : index
        %parallel_loop3A_260 = tpu.vector_load %arg9[%parallel_loop3A_258, %parallel_loop3A_259] {strides = array<i32>} : memref<256x64xf32, #tpu.memory_space<vmem>>, vector<1x16xf32>,
        %parallel_loop3A_261 = vector.shape_cast %parallel_loop3A_260 : vector<1x16xf32> to vector<16xf32>
        %parallel_loop3A_262 = arith.constant 8.000000e+00 : f32
        %parallel_loop3A_263 = vector.broadcast %parallel_loop3A_262 : f32 to vector<16xf32>
        %parallel_loop3A_264 = arith.mulf %parallel_loop3A_261, %parallel_loop3A_263 : vector<16xf32>
        %parallel_loop3A_265 = arith.index_cast %parallel_loop3A_257 : i32 to index
        %parallel_loop3A_266 = arith.constant 16 : index
        %parallel_loop3A_267 = tpu.vector_load %arg9[%parallel_loop3A_265, %parallel_loop3A_266] {strides = array<i32>} : memref<256x64xf32, #tpu.memory_space<vmem>>, vector<1x16xf32>,
        %parallel_loop3A_268 = vector.shape_cast %parallel_loop3A_267 : vector<1x16xf32> to vector<16xf32>
        %parallel_loop3A_269 = vector.shape_cast %parallel_loop3A_264 : vector<16xf32> to vector<1x16xf32>
        tpu.vector_store %arg9[%parallel_loop3A_265, %parallel_loop3A_266], %parallel_loop3A_269 {strides = array<i32>} : memref<256x64xf32, #tpu.memory_space<vmem>>, vector<1x16xf32>,
        %parallel_loop3A_270 = arith.constant 128 : i32
        %parallel_loop3A_271 = arith.addi %parallel_loop3A_241, %parallel_loop3A_270 : i32
        %parallel_loop3A_272 = arith.index_cast %parallel_loop3A_271 : i32 to index
        %parallel_loop3A_273 = arith.constant 32 : index
        %parallel_loop3A_274 = tpu.vector_load %arg9[%parallel_loop3A_272, %parallel_loop3A_273] {strides = array<i32>} : memref<256x64xf32, #tpu.memory_space<vmem>>, vector<1x16xf32>,
        %parallel_loop3A_275 = vector.shape_cast %parallel_loop3A_274 : vector<1x16xf32> to vector<16xf32>
        %parallel_loop3A_276 = arith.constant 8.000000e+00 : f32
        %parallel_loop3A_277 = vector.broadcast %parallel_loop3A_276 : f32 to vector<16xf32>
        %parallel_loop3A_278 = arith.mulf %parallel_loop3A_275, %parallel_loop3A_277 : vector<16xf32>
        %parallel_loop3A_279 = arith.index_cast %parallel_loop3A_271 : i32 to index
        %parallel_loop3A_280 = arith.constant 32 : index
        %parallel_loop3A_281 = tpu.vector_load %arg9[%parallel_loop3A_279, %parallel_loop3A_280] {strides = array<i32>} : memref<256x64xf32, #tpu.memory_space<vmem>>, vector<1x16xf32>,
        %parallel_loop3A_282 = vector.shape_cast %parallel_loop3A_281 : vector<1x16xf32> to vector<16xf32>
        %parallel_loop3A_283 = vector.shape_cast %parallel_loop3A_278 : vector<16xf32> to vector<1x16xf32>
        tpu.vector_store %arg9[%parallel_loop3A_279, %parallel_loop3A_280], %parallel_loop3A_283 {strides = array<i32>} : memref<256x64xf32, #tpu.memory_space<vmem>>, vector<1x16xf32>,
        %parallel_loop3A_284 = arith.constant 128 : i32
        %parallel_loop3A_285 = arith.addi %parallel_loop3A_241, %parallel_loop3A_284 : i32
        %parallel_loop3A_286 = arith.index_cast %parallel_loop3A_285 : i32 to index
        %parallel_loop3A_287 = arith.constant 48 : index
        %parallel_loop3A_288 = tpu.vector_load %arg9[%parallel_loop3A_286, %parallel_loop3A_287] {strides = array<i32>} : memref<256x64xf32, #tpu.memory_space<vmem>>, vector<1x16xf32>,
        %parallel_loop3A_289 = vector.shape_cast %parallel_loop3A_288 : vector<1x16xf32> to vector<16xf32>
        %parallel_loop3A_290 = arith.constant 8.000000e+00 : f32
        %parallel_loop3A_291 = vector.broadcast %parallel_loop3A_290 : f32 to vector<16xf32>
        %parallel_loop3A_292 = arith.mulf %parallel_loop3A_289, %parallel_loop3A_291 : vector<16xf32>
        %parallel_loop3A_293 = arith.index_cast %parallel_loop3A_285 : i32 to index
        %parallel_loop3A_294 = arith.constant 48 : index
        %parallel_loop3A_295 = tpu.vector_load %arg9[%parallel_loop3A_293, %parallel_loop3A_294] {strides = array<i32>} : memref<256x64xf32, #tpu.memory_space<vmem>>, vector<1x16xf32>,
        %parallel_loop3A_296 = vector.shape_cast %parallel_loop3A_295 : vector<1x16xf32> to vector<16xf32>
        %parallel_loop3A_297 = vector.shape_cast %parallel_loop3A_292 : vector<16xf32> to vector<1x16xf32>
        tpu.vector_store %arg9[%parallel_loop3A_293, %parallel_loop3A_294], %parallel_loop3A_297 {strides = array<i32>} : memref<256x64xf32, #tpu.memory_space<vmem>>, vector<1x16xf32>,
      } {sc.loop_unroll_factor = 8 : i64, sc.parallel_access}
      %mul3A_234 = arith.constant 256 : i32
      %mul3A_235 = arith.muli %add3A_195, %mul3A_234 : i32
      %add3A_236 = arith.addi %mul3A_4, %mul3A_235 : i32
      %dma_start3A_237 = arith.constant 0 : i32
      %dma_start3A_238 = tpu.memref_slice %arg4[%add3A_236, %dma_start3A_237] : memref<819200x64xf32, #tpu.memory_space<hbm>> -> memref<256x64xf32, #tpu.memory_space<hbm>>
      %dma_start3A_239 = arith.constant 0 : i32
      %dma_start3A_240 = tpu.memref_slice %arg4[%add3A_236, %dma_start3A_239] : memref<819200x64xf32, #tpu.memory_space<hbm>> -> memref<256x64xf32, #tpu.memory_space<hbm>>
      tpu.enqueue_dma source(%arg9 : memref<256x64xf32, #tpu.memory_space<vmem>>) target(%dma_start3A_240 : memref<256x64xf32, #tpu.memory_space<hbm>>) target_semaphore(%arg17 : memref<!tpu.dma_semaphore, #tpu.memory_space<semaphore_mem>>)
    }
    %scan3A_47 = arith.constant 25 : i32
    %dma_wait3A = arith.constant 0 : i32
    %dma_wait3A_48 = tpu.memref_slice %arg4[%mul3A_4, %dma_wait3A] : memref<819200x64xf32, #tpu.memory_space<hbm>> -> memref<256x64xf32, #tpu.memory_space<hbm>>
    %dma_wait3A_49 = arith.constant 0 : i32
    %dma_wait3A_50 = tpu.memref_slice %arg4[%mul3A_4, %dma_wait3A_49] : memref<819200x64xf32, #tpu.memory_space<hbm>> -> memref<256x64xf32, #tpu.memory_space<hbm>>
    tpu.wait_dma2 semaphore(%arg16 : memref<!tpu.dma_semaphore, #tpu.memory_space<semaphore_mem>>) src(%arg8 : memref<256x64xf32, #tpu.memory_space<vmem>>) dst(%dma_wait3A_50 : memref<256x64xf32, #tpu.memory_space<hbm>>)
    %dma_wait3A_51 = arith.constant 0 : i32
    %dma_wait3A_52 = tpu.memref_slice %arg4[%mul3A_4, %dma_wait3A_51] : memref<819200x64xf32, #tpu.memory_space<hbm>> -> memref<256x64xf32, #tpu.memory_space<hbm>>
    %dma_wait3A_53 = arith.constant 0 : i32
    %dma_wait3A_54 = tpu.memref_slice %arg4[%mul3A_4, %dma_wait3A_53] : memref<819200x64xf32, #tpu.memory_space<hbm>> -> memref<256x64xf32, #tpu.memory_space<hbm>>
    tpu.wait_dma2 semaphore(%arg17 : memref<!tpu.dma_semaphore, #tpu.memory_space<semaphore_mem>>) src(%arg9 : memref<256x64xf32, #tpu.memory_space<vmem>>) dst(%dma_wait3A_54 : memref<256x64xf32, #tpu.memory_space<hbm>>)
    return
  }
}

</mosaic_0001>

<sc_bundles>
// kernel: kernel.3.cloned.1.call-start
scs
__scs_entry_jumppad:
0x0: {  	(pc) =	sbr.rel $0x88, $3  }
0x1: {  	(tag) =	ssettag $0x0;
	lr =	simm.s32 $0x1  }
0x2: {  	[smem:$0x3F9F] =	sst lr;
	_ =	strace $0xD0000000  }
0x3: {  	_ = 	snop  }
0x4: {  	_ = 	snop  }
0x5: {  	_ = 	snop  }
0x6: {  	_ = 	snop  }
0x7: {  	_ = 	snop  }
__scs_overlays_trampoline_lowered:
0x8: {  	[smem:$0x3FAE] =	sst s0  }
0x9: {  	[smem:$0x3FAF] =	sst s1  }
0xa: {  	[smem:$0x3FB0] =	sst s2  }
0xb: {  	[smem:$0x3FB1] =	sst s3  }
0xc: {  	[smem:$0x3FB2] =	sst s4  }
0xd: {  	[smem:$0x3FB3] =	sst s5  }
0xe: {  	[smem:$0x3FB4] =	sst s6  }
0xf: {  	[smem:$0x3FB5] =	sst s7  }
0x10: {  	[smem:$0x3FB6] =	sst s8  }
0x11: {  	[smem:$0x3FB7] =	sst s9;
	s0 =	simm.s32 @!p0 $0x0  }
0x12: {  	s1 =	sld [smem:$0x3F9D];
	s0 =	simm.s32 @p0 $0x1  }
0x13: {  	[smem:$0x3FB8] =	sst s0;
	s0 =	simm.s32 @!p1 $0x0  }
0x14: {  	s2 =	sld [smem:$0x3F9C];
	s0 =	simm.s32 @p1 $0x1  }
0x15: {  	[smem:$0x3FB9] =	sst s0;
	s0 =	simm.s32 @!p2 $0x0  }
0x16: {  	s3 =	sld [smem:$0x3FDB];
	s0 =	simm.s32 @p2 $0x1  }
0x17: {  	s4 =	simm.s32 $0x1BF5;
	[smem:$0x3FBB] =	sst s0  }
0x18: {  	s0 =	sld [smem:$0x3F9E];
	_ =	swait.ge [sflag:s4], $0x0  }
0x19: {  	s7 =	sld [smem:$0x3F9F]  }
0x1a: {  	s8 =	sadd.s32 $0xFFFFE003, lr  }
0x1b: {  	s9 =	sadd.s32 $0xFFFFFEF7, lr;
	s5 =	simm.s32 $0xFFFFFFFF;
	p2 =	slt.u32 s8, $0xFFFFF086  }
0x1c: {  	p1 =	slt.u32 s9, $0xF7A;
	s5 =	simm.s32 @!p2 $0x0  }
0x1d: {  	s5 =	simm.s32 @p1 $0x1;
	p0 =	seq.s32 s7, s2  }
0x1e: {  	s7 =	smul.u32 @!p0 $0xF7A, s2;
	p2 =	seq.s32 @!p0 s5, $0x0  }
0x1f: {  	s9 =	smul.u32 $0xF7A, s1;
	s8 =	simm.s32 @!p0 $0x1BF5;
	p2 =	por !p2, p0  }
0x20: {  	[sflag:s8] =	ssyncset.s32 @!p0 $0xFFFFF086;
	s6 =	sadd.s32 @!p0 s3, s7;
	s7 =	simm.s32 @!p0 $0x108  }
0x21: {  	s3 =	sadd.s32 s3, s9;
	s6 =	sadd.s32 @!p0 $0x88, s6;
	s7 =	simm.s32 @p2 $0x1082  }
0x22: {  	[simem:s7], [sflag:s8] =	dma.local @!p0 [hbm:s6], $0xF7A  }
0x23: {  	s9 =	sor.u32 $0xD0000000, s2;
	s6 =	simm.s32 $0x108;
	_ =	swait.ge @!p0 [sflag:s8], $0x0  }
0x24: {  	s3 =	sadd.s32 $0x88, s3;
	s6 =	simm.s32 @!p1 $0x1082;
	[sflag:s4] =	ssyncset.s32 $0xFFFFF086  }
0x25: {  	[simem:s6], [sflag:s4] =	dma.local [hbm:s3], $0xF7A  }
0x26: {  	[smem:$0x3F9F] =	sst s1;
	(tag) =	ssettag s2;
	_ =	strace s9  }
0x27: {  	s1 =	sld [smem:$0x3FAF]  }
0x28: {  	s2 =	sld [smem:$0x3FB0]  }
0x29: {  	s4 =	sld [smem:$0x3FB2]  }
0x2a: {  	p0 =	seq.s32 s5, $0x0;
	s5 =	sld [smem:$0x3FB3]  }
0x2b: {  	s6 =	sld [smem:$0x3FB4]  }
0x2c: {  	s7 =	sld [smem:$0x3FB5]  }
0x2d: {  	s3 =	simm.s32 $0x108;
	s8 =	sld [smem:$0x3FB6]  }
0x2e: {  	s3 =	simm.s32 @!p0 $0x1082;
	s9 =	sld [smem:$0x3FB7]  }
0x2f: {  	lr =	sadd.s32 s0, s3;
	s0 =	sld [smem:$0x3FAE]  }
0x30: {  	s3 =	sld [smem:$0x3FB1]  }
0x31: {  	[smem:$0x3FBA] =	sst s10  }
0x32: {  	s10 =	sld [smem:$0x3FB8];
	_ =	sdelay $0x3  }
0x33: {  	p0 =	seq.s32 s10, $0x1;
	s10 =	sld [smem:$0x3FBA];
	_ =	sdelay $0x3  }
0x34: {  	[smem:$0x3FBA] =	sst s10  }
0x35: {  	s10 =	sld [smem:$0x3FB9];
	_ =	sdelay $0x3  }
0x36: {  	p1 =	seq.s32 s10, $0x1;
	s10 =	sld [smem:$0x3FBA];
	_ =	sdelay $0x3  }
0x37: {  	[smem:$0x3FBA] =	sst s10  }
0x38: {  	s10 =	sld [smem:$0x3FBB]  }
0x39: {  	_ = 	snop;
	(pc) =	sbr.ind lr, $3  }
0x3a: {  	_ = 	snop  }
0x3b: {  	_ = 	snop  }
0x3c: {  	p2 =	seq.s32 s10, $0x1;
	s10 =	sld [smem:$0x3FBA]  }
0x3d: {  	_ =	shalt  }
0x3e: {  	_ =	shalt  }
0x3f: {  	_ =	shalt  }
0x40: {  	_ =	shalt  }
0x41: {  	_ =	shalt  }
0x42: {  	_ =	shalt  }
0x43: {  	_ =	shalt  }
0x44: {  	_ =	shalt  }
0x45: {  	_ =	shalt  }
0x46: {  	_ =	shalt  }
0x47: {  	_ =	shalt  }
0x48: {  	_ =	shalt  }
0x49: {  	_ =	shalt  }
0x4a: {  	_ =	shalt  }
0x4b: {  	_ =	shalt  }
0x4c: {  	_ =	shalt  }
0x4d: {  	_ =	shalt  }
0x4e: {  	_ =	shalt  }
0x4f: {  	_ =	shalt  }
0x50: {  	_ =	shalt  }
0x51: {  	_ =	shalt  }
0x52: {  	_ =	shalt  }
0x53: {  	_ =	shalt  }
0x54: {  	_ =	shalt  }
0x55: {  	_ =	shalt  }
0x56: {  	_ =	shalt  }
0x57: {  	_ =	shalt  }
0x58: {  	_ =	shalt  }
0x59: {  	_ =	shalt  }
0x5a: {  	_ =	shalt  }
0x5b: {  	_ =	shalt  }
0x5c: {  	_ =	shalt  }
0x5d: {  	_ =	shalt  }
0x5e: {  	_ =	shalt  }
0x5f: {  	_ =	shalt  }
0x60: {  	_ =	shalt  }
0x61: {  	_ =	shalt  }
0x62: {  	_ =	shalt  }
0x63: {  	_ =	shalt  }
0x64: {  	_ =	shalt  }
0x65: {  	_ =	shalt  }
0x66: {  	_ =	shalt  }
0x67: {  	_ =	shalt  }
0x68: {  	_ =	shalt  }
0x69: {  	_ =	shalt  }
0x6a: {  	_ =	shalt  }
0x6b: {  	_ =	shalt  }
0x6c: {  	_ =	shalt  }
0x6d: {  	_ =	shalt  }
0x6e: {  	_ =	shalt  }
0x6f: {  	_ =	shalt  }
0x70: {  	_ =	shalt  }
0x71: {  	_ =	shalt  }
0x72: {  	_ =	shalt  }
0x73: {  	_ =	shalt  }
0x74: {  	_ =	shalt  }
0x75: {  	_ =	shalt  }
0x76: {  	_ =	shalt  }
0x77: {  	_ =	shalt  }
0x78: {  	_ =	shalt  }
0x79: {  	_ =	shalt  }
0x7a: {  	_ =	shalt  }
0x7b: {  	_ =	shalt  }
0x7c: {  	_ =	shalt  }
0x7d: {  	_ =	shalt  }
0x7e: {  	_ =	shalt  }
0x7f: {  	_ =	shalt  }
0x80: {  	_ =	shalt  }
0x81: {  	_ =	shalt  }
0x82: {  	_ =	shalt  }
0x83: {  	_ =	shalt  }
0x84: {  	_ =	shalt  }
0x85: {  	_ =	shalt  }
0x86: {  	_ =	shalt  }
0x87: {  	_ =	shalt  }
.Lfunc_end0:
.L_simem_size_0:
called_computation.1_lowered:
.L_overlay_start_0:
0x88: {  	s2 =	sld [smem:$0x3FD9]  }
0x89: {  	s3 =	sld [smem:$0x3FFE];
	_ =	sdelay $0x1  }
0x8a: {  	s1 =	srdreg.scid  }
0x8b: {  	s0 =	sand.u32 $0x1, s1  }
0x8c: {  	s17 =	sshll.u32 s0, $0xA;
	s2 =	sadd.s32 s3, s2  }
0x8d: {  	s2 =	sadd.s32 s2, s17  }
0x8e: {  	[smem:$0x3FC6] =	sst s2  }
0x8f: {  	_ = 	snop  }
0x90: {  	s2 =	sld [smem:$0x3FD0];
	(tm) =	ssettm $0x1  }
0x91: {  	s18 =	sld [smem:$0x3FFB];
	_ =	sdelay $0x3  }
0x92: {  	_ =	strace s18  }
0x93: {  	s3 =	sld [smem:$0x3FFC];
	_ =	sdelay $0x3  }
0x94: {  	_ =	strace s3  }
0x95: {  	s3 =	sld [smem:$0x3FFD];
	_ =	sdelay $0x3  }
0x96: {  	_ =	strace s3  }
0x97: {  	_ =	strace $0x8FFFFFFF  }
0x98: {  	s19 =	sld [smem:$0x3FDB];
	_ =	sdelay $0x1  }
0x99: {  	s4 =	simm.s32 $_scs_section_size  }
0x9a: {  	s5 =	simm.s32 $_size__tile_overlayer_lowered;
	s6 =	simm.s32 $_tile_overlayer_lowered  }
0x9b: {  	s22 =	simm.s32 $0x1BFF;
	s21 =	sshll.u32 s6, $0x1;
	s3 =	sadd.s32 s4, s19  }
0x9c: {  	s7 =	simm.s32 $0x0;
	s20 =	sshll.u32 s5, $0x1;
	s5 =	sadd.s32 s21, s3  }
0x9d: {  	[timem:s7], [sflag:s22] =	dma.local [hbm:s5], s20  }
0x9e: {  	_ =	swait.ge [sflag:s22], s20  }
0x9f: {  	s4 =	ssub.s32 $0x0, s20;
	[sflag:s22] =	ssyncset.done $0x0  }
0xa0: {  	[sflag:s22] =	ssyncadd.s32 s4;
	_ =	sdelay $0x1  }
0xa1: {  	s23 =	simm.s32 $0x1B8B  }
0xa2: {  	_ =	swait.ge [sflag:s23], $0x1  }
0xa3: {  	[sflag:s23] =	ssyncset.done $0x0  }
0xa4: {  	s25 =	simm.s32 $0x1B8E;
	s24 =	sld [smem:$0x3FFE];
	[sflag:s23] =	ssyncadd.s32 $0xFFFFFFFF  }
0xa5: {  	s26 =	simm.s32 $execute0_lowered;
	[smem:$0x3FD2] =	sst s25  }
0xa6: {  	s5 =	sshll.u32 s26, $0x1;
	_ =	strace $0x80000046;
	[dreg:$0x1] =	wrdreg $0xFFFFFFFF  }
0xa7: {  	s28 =	simm.s32 $_size_execute0_lowered;
	s3 =	sadd.s32 s3, s5;
	[dreg:$0x0] =	wrdreg $0x0  }
0xa8: {  	s5 =	sshll.u32 s28, $0x1;
	[dreg:$0x2] =	wrdreg s3  }
0xa9: {  	[dreg:$0x3] =	wrdreg s5  }
0xaa: {  	[dreg:$0x4] =	wrdreg $0xC0  }
0xab: {  	_ =	task [dreg:s7], $0x5FFFF  }
0xac: {  	[dreg:$0x1] =	wrdreg $0xFFFFFFFF  }
0xad: {  	[dreg:$0x0] =	wrdreg $0x60  }
0xae: {  	[dreg:$0x2] =	wrdreg s24  }
0xaf: {  	[dreg:$0x3] =	wrdreg s2  }
0xb0: {  	[dreg:$0x4] =	wrdreg $0x9  }
0xb1: {  	_ =	task.clear_ibuf [dreg:s7], $0x5FFFF;
	_ =	strace $0x90000046  }
0xb2: {  	s29 =	simm.s32 $0x9;
	_ =	strace $0x80000048  }
0xb3: {  	_ =	swait.ge [sflag:s29], $0x1  }
0xb4: {  	[sflag:s29] =	ssyncadd.s32 $0xFFFFFFFF  }
0xb5: {  	_ =	strace $0x90000048  }
0xb6: {  	_ =	sfence  }
0xb7: {  	s30 =	sld [smem:$0x0];
	_ =	sdelay $0x2  }
0xb8: {  	s31 =	sshll.u32 s1, $0xD;
	s1 =	sshrl.u32 s1, $0x2  }
0xb9: {  	s3 =	sand.u32 $0x4000, s31;
	s1 =	sadd.s32 s1, s30  }
0xba: {  	s0 =	sor.u32 s3, s0;
	s1 =	sshll.u32 s1, $0x11  }
0xbb: {  	s0 =	sor.u32 s1, s0  }
0xbc: {  	s0 =	sadd.s32 $0x8F2B, s0  }
0xbd: {  	[sflag:s0] =	ssyncadd.remote.s32 $0x1  }
0xbe: {  	_ =	sfence.sel $0xFFFF  }
0xbf: {  	[dreg:$0x0] =	wrdreg $0xFFFFFFFF;
	(pc) =	sbr.abs _section_cstart, $3  }
0xc0: {  	[dreg:$0x1] =	wrdreg $0xFFFFFFFF  }
0xc1: {  	_ =	task.clear_ibuf [dreg:s7], $0x2FFFF;
	_ =	strace $0x9FFFFFFF  }
0xc2: {  	(tm) =	ssettm $0x7FFFFFFF  }
0xc3: {  	_ =	shalt  }
tec
execute0_lowered:
.L_overlay_start_1:
0x0: {  	(tag) =	ssettag $0x1  }
0x1: {  	s0 =	rddreg [dreg:$0x0]  }
0x2: {  	s1 =	srdreg.scid;
	s3 =	stileid.u32  }
0x3: {  	s2 =	rddreg [dreg:$0x1];
	s9 =	simm.s32 $0x9;
	s10 =	simm.s32 $0x80  }
0x4: {  	s11 =	simm.s32 $0x6400;
	s14 =	simm.s32 $0xA400;
	s17 =	simm.s32 $0xE400  }
0x5: {  	s18 =	simm.s32 $0x10400;
	s19 =	simm.s32 $0x1;
	s20 =	simm.s32 $0x12400  }
0x6: {  	s21 =	simm.s32 $0x14400;
	s22 =	simm.s32 $0x2;
	s23 =	simm.s32 $0x5  }
0x7: {  	s24 =	simm.s32 $0x3;
	s25 =	simm.s32 $0x6;
	s28 =	simm.s32 $0x7  }
0x8: {  	s29 =	simm.s32 $0x8;
	s1 =	sand.u32 $0x1, s1;
	s4 =	sshll.u32 s3, $0x1  }
0x9: {  	s30 =	simm.s32 $0x0;
	s3 =	simm.s32 $0x0;
	s6 =	sor.u32 s1, s4  }
0xa: {  	[smem:$0x7FF] =	sst s3;
	s1 =	ssub.s32 $0x2, s1;
	s4 =	smul.u32 $0xC80, s6  }
0xb: {  	_ =	strace $0x80000047;
	s7 =	smul.u32 $0x32000, s6;
	s26 =	sshrl.u32 s1, $0x1  }
0xc: {  	s6 =	smul.u32 $0x190000, s6;
	s5 =	sadd.s32 s4, s0;
	s4 =	sadd.s32 $0xF42E00, s0  }
0xd: {  	s0 =	ssub.s32 s1, s26;
	s31 =	sadd.s32 s7, s2;
	s26 =	simm.s32 $0x4  }
0xe: {  	s5 =	sadd.s32 $0xA00, s5;
	s7 =	smax.u32 s0, $0x1;
	s8 =	sadd.s32 $0x800, s31  }
.LBB2_1:
0xf: {  	[tilespmem:s3], [sflag:$0x9] =	stream.linear.gather [hbm4b:s5+s3], $0x6400, $0x38;
	[tilespmem:$0x16400] =	vst v63  }
0x10: {  	_ =	swait.ge [sflag:s9], $0x6400  }
0x11: {  	[sflag:s9] =	ssyncset.done $0x0  }
0x12: {  	[sflag:s9] =	ssyncadd.s32 $0xFFFF9C00  }
0x13: {  	[tilespmem:s11], [sflag:$0x1] =	stream.indirect.gather [hbm4b:s4+s10], $0x40, s3, s10, $0xb8;
	[tilespmem:$0x16400] =	vst v63  }
0x14: {  	s0 =	simm.s32 $0x8400  }
0x15: {  	[tilespmem:s0], [sflag:$0x1] =	stream.indirect.gather [hbm4b:s4+s10], $0x40, s10, s10, $0xb8;
	[tilespmem:$0x16400] =	vst v63  }
0x16: {  	s15 =	simm.s32 $0x100  }
0x17: {  	[tilespmem:s14], [sflag:$0x2] =	stream.indirect.gather [hbm4b:s4+s10], $0x40, s15, s10, $0xb8;
	[tilespmem:$0x16400] =	vst v63  }
0x18: {  	s16 =	simm.s32 $0x180;
	s1 =	simm.s32 $0xC400;
	s31 =	simm.s32 $0x0  }
0x19: {  	[tilespmem:s1], [sflag:$0x2] =	stream.indirect.gather [hbm4b:s4+s10], $0x40, s16, s10, $0xb8;
	[tilespmem:$0x16400] =	vst v63  }
.LBB2_2:
0x1a: {  	p0 =	seq.s32 s31, $0x0  }
0x1b: {  	s0 =	sshll.u32 s31, $0x2;
	s12 =	simm.s32 @!p0 $0x7  }
0x1c: {  	s1 =	sor.u32 $0x2, s0;
	_ =	swait.ge @!p0 [sflag:s12], $0x4000  }
0x1d: {  	s13 =	sshll.u32 s1, $0x8;
	[sflag:s12] =	ssyncset.done @!p0 $0x0  }
0x1e: {  	s16 =	sand.u32 $0x3FFFFF00, s13;
	[sflag:s12] =	ssyncadd.s32 @!p0 $0xFFFFC000  }
0x1f: {  	[tilespmem:s17], [sflag:$0x3] =	stream.indirect.gather [hbm4b:s4+s10], $0x40, s16, s10, $0xb8;
	[tilespmem:$0x16400] =	vst v63  }
0x20: {  	s12 =	sor.u32 $0x80, s16  }
0x21: {  	[tilespmem:s18], [sflag:$0x3] =	stream.indirect.gather [hbm4b:s4+s10], $0x40, s12, s10, $0xb8;
	[tilespmem:$0x16400] =	vst v63  }
0x22: {  	_ =	swait.ge [sflag:s19], $0x2000  }
0x23: {  	[sflag:s19] =	ssyncset.done $0x0  }
0x24: {  	s12 =	simm.s32 $0x6500;
	[sflag:s19] =	ssyncadd.s32 $0xFFFFE000  }
0x25: {  	v0 =	vld [tilespmem:s12+$0xF0]  }
0x26: {  	v1 =	vld [tilespmem:s12+$0xFFFFFF10]  }
0x27: {  	v2 =	vld [tilespmem:s12+$0xFFFFFF20]  }
0x28: {  	v3 =	vld [tilespmem:s12+$0xFFFFFF30]  }
0x29: {  	v4 =	vld [tilespmem:s12+$0xFFFFFF40]  }
0x2a: {  	v5 =	vld [tilespmem:s12+$0xFFFFFF50];
	v0 =	vmul.f32 $8.000000000e+00, v0  }
0x2b: {  	v6 =	vld [tilespmem:s12+$0xFFFFFF60];
	v1 =	vmul.f32 $8.000000000e+00, v1  }
0x2c: {  	v7 =	vld [tilespmem:s12+$0xFFFFFF70];
	v2 =	vmul.f32 $8.000000000e+00, v2;
	[tilespmem:s12+$0xF0] =	vst v0  }
0x2d: {  	[tilespmem:s12+$0xFFFFFF10] =	vst v1;
	v0 =	vmul.f32 $8.000000000e+00, v3;
	v1 =	vld [tilespmem:s12+$0xFFFFFF80]  }
0x2e: {  	[tilespmem:s12+$0xFFFFFF20] =	vst v2;
	v2 =	vmul.f32 $8.000000000e+00, v4;
	v3 =	vld [tilespmem:s12+$0xFFFFFF90]  }
0x2f: {  	v4 =	vld [tilespmem:s12+$0xFFFFFFA0];
	[tilespmem:s12+$0xFFFFFF30] =	vst v0;
	v0 =	vmul.f32 $8.000000000e+00, v5  }
0x30: {  	[tilespmem:s12+$0xFFFFFF40] =	vst v2;
	v2 =	vmul.f32 $8.000000000e+00, v6;
	v5 =	vld [tilespmem:s12+$0xFFFFFFB0]  }
0x31: {  	v6 =	vld [tilespmem:s12+$0xFFFFFFC0];
	[tilespmem:s12+$0xFFFFFF50] =	vst v0;
	v0 =	vmul.f32 $8.000000000e+00, v7  }
0x32: {  	[tilespmem:s12+$0xFFFFFF60] =	vst v2;
	v2 =	vld [tilespmem:s12+$0xFFFFFFD0];
	v1 =	vmul.f32 $8.000000000e+00, v1  }
0x33: {  	[tilespmem:s12+$0xFFFFFF70] =	vst v0;
	v0 =	vmul.f32 $8.000000000e+00, v3;
	v3 =	vld [tilespmem:s12+$0xFFFFFFE0]  }
0x34: {  	[tilespmem:s12+$0xFFFFFF80] =	vst v1;
	v1 =	vmul.f32 $8.000000000e+00, v4;
	v4 =	vld [tilespmem:s12+$0xFFFFFFF0]  }
0x35: {  	[tilespmem:s12+$0xFFFFFF90] =	vst v0;
	v0 =	vmul.f32 $8.000000000e+00, v5;
	v5 =	vld [tilespmem:s12+$0x0]  }
0x36: {  	[tilespmem:s12+$0xFFFFFFA0] =	vst v1;
	v1 =	vmul.f32 $8.000000000e+00, v6;
	v6 =	vld [tilespmem:s12+$0x10]  }
0x37: {  	[tilespmem:s12+$0xFFFFFFB0] =	vst v0;
	v0 =	vmul.f32 $8.000000000e+00, v2;
	v2 =	vld [tilespmem:s12+$0x20]  }
0x38: {  	[tilespmem:s12+$0xFFFFFFC0] =	vst v1;
	v1 =	vmul.f32 $8.000000000e+00, v3;
	v3 =	vld [tilespmem:s12+$0x30]  }
0x39: {  	[tilespmem:s12+$0xFFFFFFD0] =	vst v0;
	v0 =	vmul.f32 $8.000000000e+00, v4;
	v4 =	vld [tilespmem:s12+$0x40]  }
0x3a: {  	[tilespmem:s12+$0xFFFFFFE0] =	vst v1;
	v1 =	vmul.f32 $8.000000000e+00, v5;
	v5 =	vld [tilespmem:s12+$0x50]  }
0x3b: {  	[tilespmem:s12+$0xFFFFFFF0] =	vst v0;
	v0 =	vmul.f32 $8.000000000e+00, v6;
	v6 =	vld [tilespmem:s12+$0x60]  }
0x3c: {  	[tilespmem:s12+$0x0] =	vst v1;
	v1 =	vmul.f32 $8.000000000e+00, v2;
	v2 =	vld [tilespmem:s12+$0x70]  }
0x3d: {  	[tilespmem:s12+$0x10] =	vst v0;
	v0 =	vmul.f32 $8.000000000e+00, v3;
	v3 =	vld [tilespmem:s12+$0x80]  }
0x3e: {  	[tilespmem:s12+$0x20] =	vst v1;
	v1 =	vmul.f32 $8.000000000e+00, v4;
	v4 =	vld [tilespmem:s12+$0x90]  }
0x3f: {  	v7 =	vld [tilespmem:s12+$0xA0];
	[tilespmem:s12+$0x30] =	vst v0;
	v5 =	vmul.f32 $8.000000000e+00, v5  }
0x40: {  	v0 =	vld [tilespmem:s12+$0xB0];
	[tilespmem:s12+$0x40] =	vst v1;
	v6 =	vmul.f32 $8.000000000e+00, v6  }
0x41: {  	v1 =	vld [tilespmem:s12+$0xC0];
	[tilespmem:s12+$0x50] =	vst v5;
	v5 =	vmul.f32 $8.000000000e+00, v2  }
0x42: {  	v2 =	vld [tilespmem:s12+$0xD0];
	[tilespmem:s12+$0x60] =	vst v6;
	v6 =	vmul.f32 $8.000000000e+00, v3  }
0x43: {  	v3 =	vld [tilespmem:s12+$0xE0];
	[tilespmem:s12+$0x70] =	vst v5;
	v5 =	vmul.f32 $8.000000000e+00, v4  }
0x44: {  	s15 =	simm.s32 $0x6700;
	s13 =	simm.s32 $0x0;
	v4 =	vld [tilespmem:s12+$0xFFFFFF00];
	[tilespmem:s12+$0x80] =	vst v6;
	v6 =	vmul.f32 $8.000000000e+00, v7  }
.LBB2_3:
0x45: {  	v7 =	vld [tilespmem:s15+$0xF0];
	s13 =	sadd.s32 $0x8, s13;
	[tilespmem:s12+$0x90] =	vst v5;
	v0 =	vmul.f32 $8.000000000e+00, v0  }
0x46: {  	v5 =	vld [tilespmem:s15+$0xFFFFFF10];
	p1 =	slt.u32 s13, $0x78;
	[tilespmem:s12+$0xA0] =	vst v6;
	v1 =	vmul.f32 $8.000000000e+00, v1  }
0x47: {  	v6 =	vld [tilespmem:s15+$0xFFFFFF20];
	[tilespmem:s12+$0xB0] =	vst v0;
	v0 =	vmul.f32 $8.000000000e+00, v2  }
0x48: {  	v2 =	vld [tilespmem:s15+$0xFFFFFF30];
	[tilespmem:s12+$0xC0] =	vst v1;
	v1 =	vmul.f32 $8.000000000e+00, v3  }
0x49: {  	v3 =	vld [tilespmem:s15+$0xFFFFFF40];
	v4 =	vmul.f32 $8.000000000e+00, v4;
	[tilespmem:s12+$0xD0] =	vst v0  }
0x4a: {  	v0 =	vld [tilespmem:s15+$0xFFFFFF50];
	v7 =	vmul.f32 $8.000000000e+00, v7;
	[tilespmem:s12+$0xE0] =	vst v1  }
0x4b: {  	v1 =	vmul.f32 $8.000000000e+00, v5;
	v5 =	vld [tilespmem:s15+$0xFFFFFF60];
	[tilespmem:s12+$0xFFFFFF00] =	vst v4;
	s12 =	smov.u32 s15  }
0x4c: {  	v4 =	vmul.f32 $8.000000000e+00, v6;
	v6 =	vld [tilespmem:s15+$0xFFFFFF70];
	[tilespmem:s15+$0xF0] =	vst v7  }
0x4d: {  	[tilespmem:s15+$0xFFFFFF10] =	vst v1;
	v1 =	vmul.f32 $8.000000000e+00, v2;
	v2 =	vld [tilespmem:s15+$0xFFFFFF80]  }
0x4e: {  	[tilespmem:s15+$0xFFFFFF20] =	vst v4;
	v3 =	vmul.f32 $8.000000000e+00, v3;
	v4 =	vld [tilespmem:s15+$0xFFFFFF90]  }
0x4f: {  	[tilespmem:s15+$0xFFFFFF30] =	vst v1;
	v0 =	vmul.f32 $8.000000000e+00, v0;
	v1 =	vld [tilespmem:s15+$0xFFFFFFA0]  }
0x50: {  	[tilespmem:s15+$0xFFFFFF40] =	vst v3;
	v3 =	vmul.f32 $8.000000000e+00, v5;
	v5 =	vld [tilespmem:s15+$0xFFFFFFB0]  }
0x51: {  	[tilespmem:s15+$0xFFFFFF50] =	vst v0;
	v0 =	vmul.f32 $8.000000000e+00, v6;
	v6 =	vld [tilespmem:s15+$0xFFFFFFC0]  }
0x52: {  	[tilespmem:s15+$0xFFFFFF60] =	vst v3;
	v2 =	vmul.f32 $8.000000000e+00, v2;
	v3 =	vld [tilespmem:s15+$0xFFFFFFD0]  }
0x53: {  	[tilespmem:s15+$0xFFFFFF70] =	vst v0;
	v0 =	vmul.f32 $8.000000000e+00, v4;
	v4 =	vld [tilespmem:s15+$0xFFFFFFE0]  }
0x54: {  	[tilespmem:s15+$0xFFFFFF80] =	vst v2;
	v1 =	vmul.f32 $8.000000000e+00, v1;
	v2 =	vld [tilespmem:s15+$0xFFFFFFF0]  }
0x55: {  	[tilespmem:s15+$0xFFFFFF90] =	vst v0;
	v0 =	vmul.f32 $8.000000000e+00, v5;
	v5 =	vld [tilespmem:s15+$0x0]  }
0x56: {  	[tilespmem:s15+$0xFFFFFFA0] =	vst v1;
	v1 =	vmul.f32 $8.000000000e+00, v6;
	v6 =	vld [tilespmem:s15+$0x10]  }
0x57: {  	[tilespmem:s15+$0xFFFFFFB0] =	vst v0;
	v0 =	vmul.f32 $8.000000000e+00, v3;
	v3 =	vld [tilespmem:s15+$0x20]  }
0x58: {  	[tilespmem:s15+$0xFFFFFFC0] =	vst v1;
	v1 =	vmul.f32 $8.000000000e+00, v4;
	v4 =	vld [tilespmem:s15+$0x30]  }
0x59: {  	[tilespmem:s15+$0xFFFFFFD0] =	vst v0;
	v0 =	vmul.f32 $8.000000000e+00, v2;
	v2 =	vld [tilespmem:s15+$0x40]  }
0x5a: {  	[tilespmem:s15+$0xFFFFFFE0] =	vst v1;
	v1 =	vmul.f32 $8.000000000e+00, v5;
	v5 =	vld [tilespmem:s15+$0x50]  }
0x5b: {  	[tilespmem:s15+$0xFFFFFFF0] =	vst v0;
	v0 =	vmul.f32 $8.000000000e+00, v6;
	v6 =	vld [tilespmem:s15+$0x60]  }
0x5c: {  	[tilespmem:s15+$0x0] =	vst v1;
	v1 =	vmul.f32 $8.000000000e+00, v3;
	v3 =	vld [tilespmem:s15+$0x70]  }
0x5d: {  	[tilespmem:s15+$0x10] =	vst v0;
	v0 =	vmul.f32 $8.000000000e+00, v4;
	v4 =	vld [tilespmem:s15+$0x80]  }
0x5e: {  	[tilespmem:s15+$0x20] =	vst v1;
	v1 =	vmul.f32 $8.000000000e+00, v2;
	v7 =	vld [tilespmem:s15+$0x90]  }
0x5f: {  	[tilespmem:s15+$0x30] =	vst v0;
	v2 =	vmul.f32 $8.000000000e+00, v5;
	v8 =	vld [tilespmem:s15+$0xA0]  }
.Ltmp0:
0x60: {  	[tilespmem:s15+$0x40] =	vst v1;
	v5 =	vmul.f32 $8.000000000e+00, v6;
	v0 =	vld [tilespmem:s15+$0xB0];
	(pc) =	sbr.rel @p1 .LBB2_3-.Ltmp0, $4  }
0x61: {  	[tilespmem:s15+$0x50] =	vst v2;
	v3 =	vmul.f32 $8.000000000e+00, v3;
	v1 =	vld [tilespmem:s15+$0xC0]  }
0x62: {  	[tilespmem:s15+$0x60] =	vst v5;
	v6 =	vmul.f32 $8.000000000e+00, v4;
	v2 =	vld [tilespmem:s15+$0xD0]  }
0x63: {  	[tilespmem:s15+$0x70] =	vst v3;
	v5 =	vmul.f32 $8.000000000e+00, v7;
	v3 =	vld [tilespmem:s15+$0xE0]  }
0x64: {  	s15 =	sadd.s32 $0x200, s15;
	v4 =	vld [tilespmem:s12+$0xFFFFFF00];
	[tilespmem:s12+$0x80] =	vst v6;
	v6 =	vmul.f32 $8.000000000e+00, v8  }
0x65: {  	[tilespmem:s12+$0x90] =	vst v5;
	v0 =	vmul.f32 $8.000000000e+00, v0  }
0x66: {  	[tilespmem:s12+$0xA0] =	vst v6;
	v1 =	vmul.f32 $8.000000000e+00, v1  }
0x67: {  	[tilespmem:s12+$0xB0] =	vst v0;
	v0 =	vmul.f32 $8.000000000e+00, v2  }
0x68: {  	[tilespmem:s12+$0xC0] =	vst v1;
	v1 =	vmul.f32 $8.000000000e+00, v3  }
0x69: {  	v2 =	vmul.f32 $8.000000000e+00, v4;
	[tilespmem:s12+$0xD0] =	vst v0  }
0x6a: {  	[tilespmem:s12+$0xE0] =	vst v1  }
0x6b: {  	[tilespmem:s12+$0xFFFFFF00] =	vst v2  }
0x6c: {  	_ =	swait.ge [sflag:s19], $0x2000  }
0x6d: {  	[sflag:s19] =	ssyncset.done $0x0  }
0x6e: {  	s12 =	simm.s32 $0x85F0;
	[sflag:s19] =	ssyncadd.s32 $0xFFFFE000  }
0x6f: {  	v0 =	vld [tilespmem:s12+$0x0]  }
0x70: {  	v1 =	vld [tilespmem:s12+$0xFFFFFE20]  }
0x71: {  	v2 =	vld [tilespmem:s12+$0xFFFFFE30]  }
0x72: {  	v3 =	vld [tilespmem:s12+$0xFFFFFE40]  }
0x73: {  	v4 =	vld [tilespmem:s12+$0xFFFFFE50]  }
0x74: {  	v5 =	vld [tilespmem:s12+$0xFFFFFE60];
	v0 =	vmul.f32 $8.000000000e+00, v0  }
0x75: {  	v6 =	vld [tilespmem:s12+$0xFFFFFE70];
	v1 =	vmul.f32 $8.000000000e+00, v1  }
0x76: {  	v7 =	vld [tilespmem:s12+$0xFFFFFE80];
	v2 =	vmul.f32 $8.000000000e+00, v2;
	[tilespmem:s12+$0x0] =	vst v0  }
0x77: {  	[tilespmem:s12+$0xFFFFFE20] =	vst v1;
	v0 =	vmul.f32 $8.000000000e+00, v3;
	v1 =	vld [tilespmem:s12+$0xFFFFFE90]  }
0x78: {  	[tilespmem:s12+$0xFFFFFE30] =	vst v2;
	v2 =	vmul.f32 $8.000000000e+00, v4;
	v3 =	vld [tilespmem:s12+$0xFFFFFEA0]  }
0x79: {  	v4 =	vld [tilespmem:s12+$0xFFFFFEB0];
	[tilespmem:s12+$0xFFFFFE40] =	vst v0;
	v0 =	vmul.f32 $8.000000000e+00, v5  }
0x7a: {  	[tilespmem:s12+$0xFFFFFE50] =	vst v2;
	v2 =	vmul.f32 $8.000000000e+00, v6;
	v5 =	vld [tilespmem:s12+$0xFFFFFEC0]  }
0x7b: {  	v6 =	vld [tilespmem:s12+$0xFFFFFED0];
	[tilespmem:s12+$0xFFFFFE60] =	vst v0;
	v0 =	vmul.f32 $8.000000000e+00, v7  }
0x7c: {  	[tilespmem:s12+$0xFFFFFE70] =	vst v2;
	v2 =	vld [tilespmem:s12+$0xFFFFFEE0];
	v1 =	vmul.f32 $8.000000000e+00, v1  }
0x7d: {  	[tilespmem:s12+$0xFFFFFE80] =	vst v0;
	v0 =	vmul.f32 $8.000000000e+00, v3;
	v3 =	vld [tilespmem:s12+$0xFFFFFEF0]  }
0x7e: {  	[tilespmem:s12+$0xFFFFFE90] =	vst v1;
	v1 =	vmul.f32 $8.000000000e+00, v4;
	v4 =	vld [tilespmem:s12+$0xFFFFFF00]  }
0x7f: {  	[tilespmem:s12+$0xFFFFFEA0] =	vst v0;
	v0 =	vmul.f32 $8.000000000e+00, v5;
	v5 =	vld [tilespmem:s12+$0xFFFFFF10]  }
0x80: {  	[tilespmem:s12+$0xFFFFFEB0] =	vst v1;
	v1 =	vmul.f32 $8.000000000e+00, v6;
	v6 =	vld [tilespmem:s12+$0xFFFFFF20]  }
0x81: {  	[tilespmem:s12+$0xFFFFFEC0] =	vst v0;
	v0 =	vmul.f32 $8.000000000e+00, v2;
	v2 =	vld [tilespmem:s12+$0xFFFFFF30]  }
0x82: {  	[tilespmem:s12+$0xFFFFFED0] =	vst v1;
	v1 =	vmul.f32 $8.000000000e+00, v3;
	v3 =	vld [tilespmem:s12+$0xFFFFFF40]  }
0x83: {  	[tilespmem:s12+$0xFFFFFEE0] =	vst v0;
	v0 =	vmul.f32 $8.000000000e+00, v4;
	v4 =	vld [tilespmem:s12+$0xFFFFFF50]  }
0x84: {  	[tilespmem:s12+$0xFFFFFEF0] =	vst v1;
	v1 =	vmul.f32 $8.000000000e+00, v5;
	v5 =	vld [tilespmem:s12+$0xFFFFFF60]  }
0x85: {  	[tilespmem:s12+$0xFFFFFF00] =	vst v0;
	v0 =	vmul.f32 $8.000000000e+00, v6;
	v6 =	vld [tilespmem:s12+$0xFFFFFF70]  }
0x86: {  	[tilespmem:s12+$0xFFFFFF10] =	vst v1;
	v1 =	vmul.f32 $8.000000000e+00, v2;
	v2 =	vld [tilespmem:s12+$0xFFFFFF80]  }
0x87: {  	[tilespmem:s12+$0xFFFFFF20] =	vst v0;
	v0 =	vmul.f32 $8.000000000e+00, v3;
	v3 =	vld [tilespmem:s12+$0xFFFFFF90]  }
0x88: {  	[tilespmem:s12+$0xFFFFFF30] =	vst v1;
	v1 =	vmul.f32 $8.000000000e+00, v4;
	v4 =	vld [tilespmem:s12+$0xFFFFFFA0]  }
0x89: {  	v7 =	vld [tilespmem:s12+$0xFFFFFFB0];
	[tilespmem:s12+$0xFFFFFF40] =	vst v0;
	v5 =	vmul.f32 $8.000000000e+00, v5  }
0x8a: {  	v0 =	vld [tilespmem:s12+$0xFFFFFFC0];
	[tilespmem:s12+$0xFFFFFF50] =	vst v1;
	v6 =	vmul.f32 $8.000000000e+00, v6  }
0x8b: {  	v1 =	vld [tilespmem:s12+$0xFFFFFFD0];
	[tilespmem:s12+$0xFFFFFF60] =	vst v5;
	v5 =	vmul.f32 $8.000000000e+00, v2  }
0x8c: {  	v2 =	vld [tilespmem:s12+$0xFFFFFFE0];
	[tilespmem:s12+$0xFFFFFF70] =	vst v6;
	v6 =	vmul.f32 $8.000000000e+00, v3  }
0x8d: {  	v3 =	vld [tilespmem:s12+$0xFFFFFFF0];
	[tilespmem:s12+$0xFFFFFF80] =	vst v5;
	v5 =	vmul.f32 $8.000000000e+00, v4  }
0x8e: {  	s13 =	simm.s32 $0x0;
	s15 =	simm.s32 $0x87F0;
	v4 =	vld [tilespmem:s12+$0xFFFFFE10];
	[tilespmem:s12+$0xFFFFFF90] =	vst v6;
	v6 =	vmul.f32 $8.000000000e+00, v7  }
.LBB2_5:
0x8f: {  	v7 =	vld [tilespmem:s15+$0x0];
	s13 =	sadd.s32 $0x8, s13;
	[tilespmem:s12+$0xFFFFFFA0] =	vst v5;
	v0 =	vmul.f32 $8.000000000e+00, v0  }
0x90: {  	v5 =	vld [tilespmem:s15+$0xFFFFFE20];
	p1 =	slt.u32 s13, $0x78;
	[tilespmem:s12+$0xFFFFFFB0] =	vst v6;
	v1 =	vmul.f32 $8.000000000e+00, v1  }
0x91: {  	v6 =	vld [tilespmem:s15+$0xFFFFFE30];
	[tilespmem:s12+$0xFFFFFFC0] =	vst v0;
	v0 =	vmul.f32 $8.000000000e+00, v2  }
0x92: {  	v2 =	vld [tilespmem:s15+$0xFFFFFE40];
	[tilespmem:s12+$0xFFFFFFD0] =	vst v1;
	v1 =	vmul.f32 $8.000000000e+00, v3  }
0x93: {  	v3 =	vld [tilespmem:s15+$0xFFFFFE50];
	v4 =	vmul.f32 $8.000000000e+00, v4;
	[tilespmem:s12+$0xFFFFFFE0] =	vst v0  }
0x94: {  	v0 =	vld [tilespmem:s15+$0xFFFFFE60];
	v7 =	vmul.f32 $8.000000000e+00, v7;
	[tilespmem:s12+$0xFFFFFFF0] =	vst v1  }
0x95: {  	v1 =	vmul.f32 $8.000000000e+00, v5;
	v5 =	vld [tilespmem:s15+$0xFFFFFE70];
	[tilespmem:s12+$0xFFFFFE10] =	vst v4;
	s12 =	smov.u32 s15  }
0x96: {  	v4 =	vmul.f32 $8.000000000e+00, v6;
	v6 =	vld [tilespmem:s15+$0xFFFFFE80];
	[tilespmem:s15+$0x0] =	vst v7  }
0x97: {  	[tilespmem:s15+$0xFFFFFE20] =	vst v1;
	v1 =	vmul.f32 $8.000000000e+00, v2;
	v2 =	vld [tilespmem:s15+$0xFFFFFE90]  }
0x98: {  	[tilespmem:s15+$0xFFFFFE30] =	vst v4;
	v3 =	vmul.f32 $8.000000000e+00, v3;
	v4 =	vld [tilespmem:s15+$0xFFFFFEA0]  }
0x99: {  	[tilespmem:s15+$0xFFFFFE40] =	vst v1;
	v0 =	vmul.f32 $8.000000000e+00, v0;
	v1 =	vld [tilespmem:s15+$0xFFFFFEB0]  }
0x9a: {  	[tilespmem:s15+$0xFFFFFE50] =	vst v3;
	v3 =	vmul.f32 $8.000000000e+00, v5;
	v5 =	vld [tilespmem:s15+$0xFFFFFEC0]  }
0x9b: {  	[tilespmem:s15+$0xFFFFFE60] =	vst v0;
	v0 =	vmul.f32 $8.000000000e+00, v6;
	v6 =	vld [tilespmem:s15+$0xFFFFFED0]  }
0x9c: {  	[tilespmem:s15+$0xFFFFFE70] =	vst v3;
	v2 =	vmul.f32 $8.000000000e+00, v2;
	v3 =	vld [tilespmem:s15+$0xFFFFFEE0]  }
0x9d: {  	[tilespmem:s15+$0xFFFFFE80] =	vst v0;
	v0 =	vmul.f32 $8.000000000e+00, v4;
	v4 =	vld [tilespmem:s15+$0xFFFFFEF0]  }
0x9e: {  	[tilespmem:s15+$0xFFFFFE90] =	vst v2;
	v1 =	vmul.f32 $8.000000000e+00, v1;
	v2 =	vld [tilespmem:s15+$0xFFFFFF00]  }
0x9f: {  	[tilespmem:s15+$0xFFFFFEA0] =	vst v0;
	v0 =	vmul.f32 $8.000000000e+00, v5;
	v5 =	vld [tilespmem:s15+$0xFFFFFF10]  }
0xa0: {  	[tilespmem:s15+$0xFFFFFEB0] =	vst v1;
	v1 =	vmul.f32 $8.000000000e+00, v6;
	v6 =	vld [tilespmem:s15+$0xFFFFFF20]  }
0xa1: {  	[tilespmem:s15+$0xFFFFFEC0] =	vst v0;
	v0 =	vmul.f32 $8.000000000e+00, v3;
	v3 =	vld [tilespmem:s15+$0xFFFFFF30]  }
0xa2: {  	[tilespmem:s15+$0xFFFFFED0] =	vst v1;
	v1 =	vmul.f32 $8.000000000e+00, v4;
	v4 =	vld [tilespmem:s15+$0xFFFFFF40]  }
0xa3: {  	[tilespmem:s15+$0xFFFFFEE0] =	vst v0;
	v0 =	vmul.f32 $8.000000000e+00, v2;
	v2 =	vld [tilespmem:s15+$0xFFFFFF50]  }
0xa4: {  	[tilespmem:s15+$0xFFFFFEF0] =	vst v1;
	v1 =	vmul.f32 $8.000000000e+00, v5;
	v5 =	vld [tilespmem:s15+$0xFFFFFF60]  }
0xa5: {  	[tilespmem:s15+$0xFFFFFF00] =	vst v0;
	v0 =	vmul.f32 $8.000000000e+00, v6;
	v6 =	vld [tilespmem:s15+$0xFFFFFF70]  }
0xa6: {  	[tilespmem:s15+$0xFFFFFF10] =	vst v1;
	v1 =	vmul.f32 $8.000000000e+00, v3;
	v3 =	vld [tilespmem:s15+$0xFFFFFF80]  }
0xa7: {  	[tilespmem:s15+$0xFFFFFF20] =	vst v0;
	v0 =	vmul.f32 $8.000000000e+00, v4;
	v4 =	vld [tilespmem:s15+$0xFFFFFF90]  }
0xa8: {  	[tilespmem:s15+$0xFFFFFF30] =	vst v1;
	v1 =	vmul.f32 $8.000000000e+00, v2;
	v7 =	vld [tilespmem:s15+$0xFFFFFFA0]  }
0xa9: {  	[tilespmem:s15+$0xFFFFFF40] =	vst v0;
	v2 =	vmul.f32 $8.000000000e+00, v5;
	v8 =	vld [tilespmem:s15+$0xFFFFFFB0]  }
.Ltmp1:
0xaa: {  	[tilespmem:s15+$0xFFFFFF50] =	vst v1;
	v5 =	vmul.f32 $8.000000000e+00, v6;
	v0 =	vld [tilespmem:s15+$0xFFFFFFC0];
	(pc) =	sbr.rel @p1 .LBB2_5-.Ltmp1, $4  }
0xab: {  	[tilespmem:s15+$0xFFFFFF60] =	vst v2;
	v3 =	vmul.f32 $8.000000000e+00, v3;
	v1 =	vld [tilespmem:s15+$0xFFFFFFD0]  }
0xac: {  	[tilespmem:s15+$0xFFFFFF70] =	vst v5;
	v6 =	vmul.f32 $8.000000000e+00, v4;
	v2 =	vld [tilespmem:s15+$0xFFFFFFE0]  }
0xad: {  	[tilespmem:s15+$0xFFFFFF80] =	vst v3;
	v5 =	vmul.f32 $8.000000000e+00, v7;
	v3 =	vld [tilespmem:s15+$0xFFFFFFF0]  }
0xae: {  	s15 =	sadd.s32 $0x200, s15;
	v4 =	vld [tilespmem:s12+$0xFFFFFE10];
	[tilespmem:s12+$0xFFFFFF90] =	vst v6;
	v6 =	vmul.f32 $8.000000000e+00, v8  }
0xaf: {  	[tilespmem:s12+$0xFFFFFFA0] =	vst v5;
	v0 =	vmul.f32 $8.000000000e+00, v0  }
0xb0: {  	[tilespmem:s12+$0xFFFFFFB0] =	vst v6;
	v1 =	vmul.f32 $8.000000000e+00, v1  }
0xb1: {  	[tilespmem:s12+$0xFFFFFFC0] =	vst v0;
	v0 =	vmul.f32 $8.000000000e+00, v2  }
0xb2: {  	s13 =	sshll.u32 s31, $0x10;
	[tilespmem:s12+$0xFFFFFFD0] =	vst v1;
	v1 =	vmul.f32 $8.000000000e+00, v3  }
0xb3: {  	s13 =	sadd.s32 s6, s13;
	v2 =	vmul.f32 $8.000000000e+00, v4;
	[tilespmem:s12+$0xFFFFFFE0] =	vst v0  }
0xb4: {  	s13 =	sshrl.u32 s13, $0x3;
	[tilespmem:s12+$0xFFFFFFF0] =	vst v1  }
0xb5: {  	s13 =	sadd.s32 s2, s13;
	[tilespmem:s12+$0xFFFFFE10] =	vst v2;
	s12 =	simm.s32 @!p0 $0x8  }
0xb6: {  	[hbm4b:s13+s3] =	stream.linear.scatter [tilespmem:s11], [sflag:$0x5], $0x4000, $0x38;
	[tilespmem:$0x16400] =	vst v63  }
0xb7: {  	s0 =	sor.u32 $0x3, s0;
	_ =	swait.ge @!p0 [sflag:s12], $0x4000  }
0xb8: {  	s15 =	sshll.u32 s0, $0x8;
	[sflag:s12] =	ssyncset.done @!p0 $0x0  }
0xb9: {  	s16 =	sand.u32 $0x3FFFFF00, s15;
	[sflag:s12] =	ssyncadd.s32 @!p0 $0xFFFFC000  }
0xba: {  	[tilespmem:s20], [sflag:$0x4] =	stream.indirect.gather [hbm4b:s4+s10], $0x40, s16, s10, $0xb8;
	[tilespmem:$0x16400] =	vst v63  }
0xbb: {  	s12 =	sor.u32 $0x80, s16  }
0xbc: {  	[tilespmem:s21], [sflag:$0x4] =	stream.indirect.gather [hbm4b:s4+s10], $0x40, s12, s10, $0xb8;
	[tilespmem:$0x16400] =	vst v63  }
0xbd: {  	_ =	swait.ge [sflag:s22], $0x2000  }
0xbe: {  	[sflag:s22] =	ssyncset.done $0x0  }
0xbf: {  	s12 =	simm.s32 $0xA500;
	[sflag:s22] =	ssyncadd.s32 $0xFFFFE000  }
0xc0: {  	v0 =	vld [tilespmem:s12+$0xF0]  }
0xc1: {  	v1 =	vld [tilespmem:s12+$0xFFFFFF10]  }
0xc2: {  	v2 =	vld [tilespmem:s12+$0xFFFFFF20]  }
0xc3: {  	v3 =	vld [tilespmem:s12+$0xFFFFFF30]  }
0xc4: {  	v4 =	vld [tilespmem:s12+$0xFFFFFF40]  }
0xc5: {  	v5 =	vld [tilespmem:s12+$0xFFFFFF50];
	v0 =	vmul.f32 $8.000000000e+00, v0  }
0xc6: {  	v6 =	vld [tilespmem:s12+$0xFFFFFF60];
	v1 =	vmul.f32 $8.000000000e+00, v1  }
0xc7: {  	v7 =	vld [tilespmem:s12+$0xFFFFFF70];
	v2 =	vmul.f32 $8.000000000e+00, v2;
	[tilespmem:s12+$0xF0] =	vst v0  }
0xc8: {  	[tilespmem:s12+$0xFFFFFF10] =	vst v1;
	v0 =	vmul.f32 $8.000000000e+00, v3;
	v1 =	vld [tilespmem:s12+$0xFFFFFF80]  }
0xc9: {  	[tilespmem:s12+$0xFFFFFF20] =	vst v2;
	v2 =	vmul.f32 $8.000000000e+00, v4;
	v3 =	vld [tilespmem:s12+$0xFFFFFF90]  }
0xca: {  	v4 =	vld [tilespmem:s12+$0xFFFFFFA0];
	[tilespmem:s12+$0xFFFFFF30] =	vst v0;
	v0 =	vmul.f32 $8.000000000e+00, v5  }
0xcb: {  	[tilespmem:s12+$0xFFFFFF40] =	vst v2;
	v2 =	vmul.f32 $8.000000000e+00, v6;
	v5 =	vld [tilespmem:s12+$0xFFFFFFB0]  }
0xcc: {  	v6 =	vld [tilespmem:s12+$0xFFFFFFC0];
	[tilespmem:s12+$0xFFFFFF50] =	vst v0;
	v0 =	vmul.f32 $8.000000000e+00, v7  }
0xcd: {  	[tilespmem:s12+$0xFFFFFF60] =	vst v2;
	v2 =	vld [tilespmem:s12+$0xFFFFFFD0];
	v1 =	vmul.f32 $8.000000000e+00, v1  }
0xce: {  	[tilespmem:s12+$0xFFFFFF70] =	vst v0;
	v0 =	vmul.f32 $8.000000000e+00, v3;
	v3 =	vld [tilespmem:s12+$0xFFFFFFE0]  }
0xcf: {  	[tilespmem:s12+$0xFFFFFF80] =	vst v1;
	v1 =	vmul.f32 $8.000000000e+00, v4;
	v4 =	vld [tilespmem:s12+$0xFFFFFFF0]  }
0xd0: {  	[tilespmem:s12+$0xFFFFFF90] =	vst v0;
	v0 =	vmul.f32 $8.000000000e+00, v5;
	v5 =	vld [tilespmem:s12+$0x0]  }
0xd1: {  	[tilespmem:s12+$0xFFFFFFA0] =	vst v1;
	v1 =	vmul.f32 $8.000000000e+00, v6;
	v6 =	vld [tilespmem:s12+$0x10]  }
0xd2: {  	[tilespmem:s12+$0xFFFFFFB0] =	vst v0;
	v0 =	vmul.f32 $8.000000000e+00, v2;
	v2 =	vld [tilespmem:s12+$0x20]  }
0xd3: {  	[tilespmem:s12+$0xFFFFFFC0] =	vst v1;
	v1 =	vmul.f32 $8.000000000e+00, v3;
	v3 =	vld [tilespmem:s12+$0x30]  }
0xd4: {  	[tilespmem:s12+$0xFFFFFFD0] =	vst v0;
	v0 =	vmul.f32 $8.000000000e+00, v4;
	v4 =	vld [tilespmem:s12+$0x40]  }
0xd5: {  	[tilespmem:s12+$0xFFFFFFE0] =	vst v1;
	v1 =	vmul.f32 $8.000000000e+00, v5;
	v5 =	vld [tilespmem:s12+$0x50]  }
0xd6: {  	[tilespmem:s12+$0xFFFFFFF0] =	vst v0;
	v0 =	vmul.f32 $8.000000000e+00, v6;
	v6 =	vld [tilespmem:s12+$0x60]  }
0xd7: {  	[tilespmem:s12+$0x0] =	vst v1;
	v1 =	vmul.f32 $8.000000000e+00, v2;
	v2 =	vld [tilespmem:s12+$0x70]  }
0xd8: {  	[tilespmem:s12+$0x10] =	vst v0;
	v0 =	vmul.f32 $8.000000000e+00, v3;
	v3 =	vld [tilespmem:s12+$0x80]  }
0xd9: {  	[tilespmem:s12+$0x20] =	vst v1;
	v1 =	vmul.f32 $8.000000000e+00, v4;
	v4 =	vld [tilespmem:s12+$0x90]  }
0xda: {  	v7 =	vld [tilespmem:s12+$0xA0];
	[tilespmem:s12+$0x30] =	vst v0;
	v5 =	vmul.f32 $8.000000000e+00, v5  }
0xdb: {  	v0 =	vld [tilespmem:s12+$0xB0];
	[tilespmem:s12+$0x40] =	vst v1;
	v6 =	vmul.f32 $8.000000000e+00, v6  }
0xdc: {  	v1 =	vld [tilespmem:s12+$0xC0];
	[tilespmem:s12+$0x50] =	vst v5;
	v5 =	vmul.f32 $8.000000000e+00, v2  }
0xdd: {  	v2 =	vld [tilespmem:s12+$0xD0];
	[tilespmem:s12+$0x60] =	vst v6;
	v6 =	vmul.f32 $8.000000000e+00, v3  }
0xde: {  	v3 =	vld [tilespmem:s12+$0xE0];
	[tilespmem:s12+$0x70] =	vst v5;
	v5 =	vmul.f32 $8.000000000e+00, v4  }
0xdf: {  	s15 =	simm.s32 $0xA700;
	s13 =	simm.s32 $0x0;
	v4 =	vld [tilespmem:s12+$0xFFFFFF00];
	[tilespmem:s12+$0x80] =	vst v6;
	v6 =	vmul.f32 $8.000000000e+00, v7  }
.LBB2_7:
0xe0: {  	v7 =	vld [tilespmem:s15+$0xF0];
	s13 =	sadd.s32 $0x8, s13;
	[tilespmem:s12+$0x90] =	vst v5;
	v0 =	vmul.f32 $8.000000000e+00, v0  }
0xe1: {  	v5 =	vld [tilespmem:s15+$0xFFFFFF10];
	p0 =	slt.u32 s13, $0x78;
	[tilespmem:s12+$0xA0] =	vst v6;
	v1 =	vmul.f32 $8.000000000e+00, v1  }
0xe2: {  	v6 =	vld [tilespmem:s15+$0xFFFFFF20];
	[tilespmem:s12+$0xB0] =	vst v0;
	v0 =	vmul.f32 $8.000000000e+00, v2  }
0xe3: {  	v2 =	vld [tilespmem:s15+$0xFFFFFF30];
	[tilespmem:s12+$0xC0] =	vst v1;
	v1 =	vmul.f32 $8.000000000e+00, v3  }
0xe4: {  	v3 =	vld [tilespmem:s15+$0xFFFFFF40];
	v4 =	vmul.f32 $8.000000000e+00, v4;
	[tilespmem:s12+$0xD0] =	vst v0  }
0xe5: {  	v0 =	vld [tilespmem:s15+$0xFFFFFF50];
	v7 =	vmul.f32 $8.000000000e+00, v7;
	[tilespmem:s12+$0xE0] =	vst v1  }
0xe6: {  	v1 =	vmul.f32 $8.000000000e+00, v5;
	v5 =	vld [tilespmem:s15+$0xFFFFFF60];
	[tilespmem:s12+$0xFFFFFF00] =	vst v4;
	s12 =	smov.u32 s15  }
0xe7: {  	v4 =	vmul.f32 $8.000000000e+00, v6;
	v6 =	vld [tilespmem:s15+$0xFFFFFF70];
	[tilespmem:s15+$0xF0] =	vst v7  }
0xe8: {  	[tilespmem:s15+$0xFFFFFF10] =	vst v1;
	v1 =	vmul.f32 $8.000000000e+00, v2;
	v2 =	vld [tilespmem:s15+$0xFFFFFF80]  }
0xe9: {  	[tilespmem:s15+$0xFFFFFF20] =	vst v4;
	v3 =	vmul.f32 $8.000000000e+00, v3;
	v4 =	vld [tilespmem:s15+$0xFFFFFF90]  }
0xea: {  	[tilespmem:s15+$0xFFFFFF30] =	vst v1;
	v0 =	vmul.f32 $8.000000000e+00, v0;
	v1 =	vld [tilespmem:s15+$0xFFFFFFA0]  }
0xeb: {  	[tilespmem:s15+$0xFFFFFF40] =	vst v3;
	v3 =	vmul.f32 $8.000000000e+00, v5;
	v5 =	vld [tilespmem:s15+$0xFFFFFFB0]  }
0xec: {  	[tilespmem:s15+$0xFFFFFF50] =	vst v0;
	v0 =	vmul.f32 $8.000000000e+00, v6;
	v6 =	vld [tilespmem:s15+$0xFFFFFFC0]  }
0xed: {  	[tilespmem:s15+$0xFFFFFF60] =	vst v3;
	v2 =	vmul.f32 $8.000000000e+00, v2;
	v3 =	vld [tilespmem:s15+$0xFFFFFFD0]  }
0xee: {  	[tilespmem:s15+$0xFFFFFF70] =	vst v0;
	v0 =	vmul.f32 $8.000000000e+00, v4;
	v4 =	vld [tilespmem:s15+$0xFFFFFFE0]  }
0xef: {  	[tilespmem:s15+$0xFFFFFF80] =	vst v2;
	v1 =	vmul.f32 $8.000000000e+00, v1;
	v2 =	vld [tilespmem:s15+$0xFFFFFFF0]  }
0xf0: {  	[tilespmem:s15+$0xFFFFFF90] =	vst v0;
	v0 =	vmul.f32 $8.000000000e+00, v5;
	v5 =	vld [tilespmem:s15+$0x0]  }
0xf1: {  	[tilespmem:s15+$0xFFFFFFA0] =	vst v1;
	v1 =	vmul.f32 $8.000000000e+00, v6;
	v6 =	vld [tilespmem:s15+$0x10]  }
0xf2: {  	[tilespmem:s15+$0xFFFFFFB0] =	vst v0;
	v0 =	vmul.f32 $8.000000000e+00, v3;
	v3 =	vld [tilespmem:s15+$0x20]  }
0xf3: {  	[tilespmem:s15+$0xFFFFFFC0] =	vst v1;
	v1 =	vmul.f32 $8.000000000e+00, v4;
	v4 =	vld [tilespmem:s15+$0x30]  }
0xf4: {  	[tilespmem:s15+$0xFFFFFFD0] =	vst v0;
	v0 =	vmul.f32 $8.000000000e+00, v2;
	v2 =	vld [tilespmem:s15+$0x40]  }
0xf5: {  	[tilespmem:s15+$0xFFFFFFE0] =	vst v1;
	v1 =	vmul.f32 $8.000000000e+00, v5;
	v5 =	vld [tilespmem:s15+$0x50]  }
0xf6: {  	[tilespmem:s15+$0xFFFFFFF0] =	vst v0;
	v0 =	vmul.f32 $8.000000000e+00, v6;
	v6 =	vld [tilespmem:s15+$0x60]  }
0xf7: {  	[tilespmem:s15+$0x0] =	vst v1;
	v1 =	vmul.f32 $8.000000000e+00, v3;
	v3 =	vld [tilespmem:s15+$0x70]  }
0xf8: {  	[tilespmem:s15+$0x10] =	vst v0;
	v0 =	vmul.f32 $8.000000000e+00, v4;
	v4 =	vld [tilespmem:s15+$0x80]  }
0xf9: {  	[tilespmem:s15+$0x20] =	vst v1;
	v1 =	vmul.f32 $8.000000000e+00, v2;
	v7 =	vld [tilespmem:s15+$0x90]  }
0xfa: {  	[tilespmem:s15+$0x30] =	vst v0;
	v2 =	vmul.f32 $8.000000000e+00, v5;
	v8 =	vld [tilespmem:s15+$0xA0]  }
.Ltmp2:
0xfb: {  	[tilespmem:s15+$0x40] =	vst v1;
	v5 =	vmul.f32 $8.000000000e+00, v6;
	v0 =	vld [tilespmem:s15+$0xB0];
	(pc) =	sbr.rel @p0 .LBB2_7-.Ltmp2, $4  }
0xfc: {  	[tilespmem:s15+$0x50] =	vst v2;
	v3 =	vmul.f32 $8.000000000e+00, v3;
	v1 =	vld [tilespmem:s15+$0xC0]  }
0xfd: {  	[tilespmem:s15+$0x60] =	vst v5;
	v6 =	vmul.f32 $8.000000000e+00, v4;
	v2 =	vld [tilespmem:s15+$0xD0]  }
0xfe: {  	[tilespmem:s15+$0x70] =	vst v3;
	v5 =	vmul.f32 $8.000000000e+00, v7;
	v3 =	vld [tilespmem:s15+$0xE0]  }
0xff: {  	s15 =	sadd.s32 $0x200, s15;
	v4 =	vld [tilespmem:s12+$0xFFFFFF00];
	[tilespmem:s12+$0x80] =	vst v6;
	v6 =	vmul.f32 $8.000000000e+00, v8  }
0x100: {  	[tilespmem:s12+$0x90] =	vst v5;
	v0 =	vmul.f32 $8.000000000e+00, v0  }
0x101: {  	[tilespmem:s12+$0xA0] =	vst v6;
	v1 =	vmul.f32 $8.000000000e+00, v1  }
0x102: {  	[tilespmem:s12+$0xB0] =	vst v0;
	v0 =	vmul.f32 $8.000000000e+00, v2  }
0x103: {  	[tilespmem:s12+$0xC0] =	vst v1;
	v1 =	vmul.f32 $8.000000000e+00, v3  }
0x104: {  	v2 =	vmul.f32 $8.000000000e+00, v4;
	[tilespmem:s12+$0xD0] =	vst v0  }
0x105: {  	[tilespmem:s12+$0xE0] =	vst v1  }
0x106: {  	[tilespmem:s12+$0xFFFFFF00] =	vst v2  }
0x107: {  	_ =	swait.ge [sflag:s22], $0x2000  }
0x108: {  	[sflag:s22] =	ssyncset.done $0x0  }
0x109: {  	s12 =	simm.s32 $0xC5F0;
	[sflag:s22] =	ssyncadd.s32 $0xFFFFE000  }
0x10a: {  	v0 =	vld [tilespmem:s12+$0x0]  }
0x10b: {  	v1 =	vld [tilespmem:s12+$0xFFFFFE20]  }
0x10c: {  	v2 =	vld [tilespmem:s12+$0xFFFFFE30]  }
0x10d: {  	v3 =	vld [tilespmem:s12+$0xFFFFFE40]  }
0x10e: {  	v4 =	vld [tilespmem:s12+$0xFFFFFE50]  }
0x10f: {  	v5 =	vld [tilespmem:s12+$0xFFFFFE60];
	v0 =	vmul.f32 $8.000000000e+00, v0  }
0x110: {  	v6 =	vld [tilespmem:s12+$0xFFFFFE70];
	v1 =	vmul.f32 $8.000000000e+00, v1  }
0x111: {  	v7 =	vld [tilespmem:s12+$0xFFFFFE80];
	v2 =	vmul.f32 $8.000000000e+00, v2;
	[tilespmem:s12+$0x0] =	vst v0  }
0x112: {  	[tilespmem:s12+$0xFFFFFE20] =	vst v1;
	v0 =	vmul.f32 $8.000000000e+00, v3;
	v1 =	vld [tilespmem:s12+$0xFFFFFE90]  }
0x113: {  	[tilespmem:s12+$0xFFFFFE30] =	vst v2;
	v2 =	vmul.f32 $8.000000000e+00, v4;
	v3 =	vld [tilespmem:s12+$0xFFFFFEA0]  }
0x114: {  	v4 =	vld [tilespmem:s12+$0xFFFFFEB0];
	[tilespmem:s12+$0xFFFFFE40] =	vst v0;
	v0 =	vmul.f32 $8.000000000e+00, v5  }
0x115: {  	[tilespmem:s12+$0xFFFFFE50] =	vst v2;
	v2 =	vmul.f32 $8.000000000e+00, v6;
	v5 =	vld [tilespmem:s12+$0xFFFFFEC0]  }
0x116: {  	v6 =	vld [tilespmem:s12+$0xFFFFFED0];
	[tilespmem:s12+$0xFFFFFE60] =	vst v0;
	v0 =	vmul.f32 $8.000000000e+00, v7  }
0x117: {  	[tilespmem:s12+$0xFFFFFE70] =	vst v2;
	v2 =	vld [tilespmem:s12+$0xFFFFFEE0];
	v1 =	vmul.f32 $8.000000000e+00, v1  }
0x118: {  	[tilespmem:s12+$0xFFFFFE80] =	vst v0;
	v0 =	vmul.f32 $8.000000000e+00, v3;
	v3 =	vld [tilespmem:s12+$0xFFFFFEF0]  }
0x119: {  	[tilespmem:s12+$0xFFFFFE90] =	vst v1;
	v1 =	vmul.f32 $8.000000000e+00, v4;
	v4 =	vld [tilespmem:s12+$0xFFFFFF00]  }
0x11a: {  	[tilespmem:s12+$0xFFFFFEA0] =	vst v0;
	v0 =	vmul.f32 $8.000000000e+00, v5;
	v5 =	vld [tilespmem:s12+$0xFFFFFF10]  }
0x11b: {  	[tilespmem:s12+$0xFFFFFEB0] =	vst v1;
	v1 =	vmul.f32 $8.000000000e+00, v6;
	v6 =	vld [tilespmem:s12+$0xFFFFFF20]  }
0x11c: {  	[tilespmem:s12+$0xFFFFFEC0] =	vst v0;
	v0 =	vmul.f32 $8.000000000e+00, v2;
	v2 =	vld [tilespmem:s12+$0xFFFFFF30]  }
0x11d: {  	[tilespmem:s12+$0xFFFFFED0] =	vst v1;
	v1 =	vmul.f32 $8.000000000e+00, v3;
	v3 =	vld [tilespmem:s12+$0xFFFFFF40]  }
0x11e: {  	[tilespmem:s12+$0xFFFFFEE0] =	vst v0;
	v0 =	vmul.f32 $8.000000000e+00, v4;
	v4 =	vld [tilespmem:s12+$0xFFFFFF50]  }
0x11f: {  	[tilespmem:s12+$0xFFFFFEF0] =	vst v1;
	v1 =	vmul.f32 $8.000000000e+00, v5;
	v5 =	vld [tilespmem:s12+$0xFFFFFF60]  }
0x120: {  	[tilespmem:s12+$0xFFFFFF00] =	vst v0;
	v0 =	vmul.f32 $8.000000000e+00, v6;
	v6 =	vld [tilespmem:s12+$0xFFFFFF70]  }
0x121: {  	[tilespmem:s12+$0xFFFFFF10] =	vst v1;
	v1 =	vmul.f32 $8.000000000e+00, v2;
	v2 =	vld [tilespmem:s12+$0xFFFFFF80]  }
0x122: {  	[tilespmem:s12+$0xFFFFFF20] =	vst v0;
	v0 =	vmul.f32 $8.000000000e+00, v3;
	v3 =	vld [tilespmem:s12+$0xFFFFFF90]  }
0x123: {  	[tilespmem:s12+$0xFFFFFF30] =	vst v1;
	v1 =	vmul.f32 $8.000000000e+00, v4;
	v4 =	vld [tilespmem:s12+$0xFFFFFFA0]  }
0x124: {  	v7 =	vld [tilespmem:s12+$0xFFFFFFB0];
	[tilespmem:s12+$0xFFFFFF40] =	vst v0;
	v5 =	vmul.f32 $8.000000000e+00, v5  }
0x125: {  	v0 =	vld [tilespmem:s12+$0xFFFFFFC0];
	[tilespmem:s12+$0xFFFFFF50] =	vst v1;
	v6 =	vmul.f32 $8.000000000e+00, v6  }
0x126: {  	v1 =	vld [tilespmem:s12+$0xFFFFFFD0];
	[tilespmem:s12+$0xFFFFFF60] =	vst v5;
	v5 =	vmul.f32 $8.000000000e+00, v2  }
0x127: {  	v2 =	vld [tilespmem:s12+$0xFFFFFFE0];
	[tilespmem:s12+$0xFFFFFF70] =	vst v6;
	v6 =	vmul.f32 $8.000000000e+00, v3  }
0x128: {  	v3 =	vld [tilespmem:s12+$0xFFFFFFF0];
	[tilespmem:s12+$0xFFFFFF80] =	vst v5;
	v5 =	vmul.f32 $8.000000000e+00, v4  }
0x129: {  	s13 =	simm.s32 $0x0;
	s15 =	simm.s32 $0xC7F0;
	v4 =	vld [tilespmem:s12+$0xFFFFFE10];
	[tilespmem:s12+$0xFFFFFF90] =	vst v6;
	v6 =	vmul.f32 $8.000000000e+00, v7  }
.LBB2_9:
0x12a: {  	v7 =	vld [tilespmem:s15+$0x0];
	s13 =	sadd.s32 $0x8, s13;
	[tilespmem:s12+$0xFFFFFFA0] =	vst v5;
	v0 =	vmul.f32 $8.000000000e+00, v0  }
0x12b: {  	v5 =	vld [tilespmem:s15+$0xFFFFFE20];
	p0 =	slt.u32 s13, $0x78;
	[tilespmem:s12+$0xFFFFFFB0] =	vst v6;
	v1 =	vmul.f32 $8.000000000e+00, v1  }
0x12c: {  	v6 =	vld [tilespmem:s15+$0xFFFFFE30];
	[tilespmem:s12+$0xFFFFFFC0] =	vst v0;
	v0 =	vmul.f32 $8.000000000e+00, v2  }
0x12d: {  	v2 =	vld [tilespmem:s15+$0xFFFFFE40];
	[tilespmem:s12+$0xFFFFFFD0] =	vst v1;
	v1 =	vmul.f32 $8.000000000e+00, v3  }
0x12e: {  	v3 =	vld [tilespmem:s15+$0xFFFFFE50];
	v4 =	vmul.f32 $8.000000000e+00, v4;
	[tilespmem:s12+$0xFFFFFFE0] =	vst v0  }
0x12f: {  	v0 =	vld [tilespmem:s15+$0xFFFFFE60];
	v7 =	vmul.f32 $8.000000000e+00, v7;
	[tilespmem:s12+$0xFFFFFFF0] =	vst v1  }
0x130: {  	v1 =	vmul.f32 $8.000000000e+00, v5;
	v5 =	vld [tilespmem:s15+$0xFFFFFE70];
	[tilespmem:s12+$0xFFFFFE10] =	vst v4;
	s12 =	smov.u32 s15  }
0x131: {  	v4 =	vmul.f32 $8.000000000e+00, v6;
	v6 =	vld [tilespmem:s15+$0xFFFFFE80];
	[tilespmem:s15+$0x0] =	vst v7  }
0x132: {  	[tilespmem:s15+$0xFFFFFE20] =	vst v1;
	v1 =	vmul.f32 $8.000000000e+00, v2;
	v2 =	vld [tilespmem:s15+$0xFFFFFE90]  }
0x133: {  	[tilespmem:s15+$0xFFFFFE30] =	vst v4;
	v3 =	vmul.f32 $8.000000000e+00, v3;
	v4 =	vld [tilespmem:s15+$0xFFFFFEA0]  }
0x134: {  	[tilespmem:s15+$0xFFFFFE40] =	vst v1;
	v0 =	vmul.f32 $8.000000000e+00, v0;
	v1 =	vld [tilespmem:s15+$0xFFFFFEB0]  }
0x135: {  	[tilespmem:s15+$0xFFFFFE50] =	vst v3;
	v3 =	vmul.f32 $8.000000000e+00, v5;
	v5 =	vld [tilespmem:s15+$0xFFFFFEC0]  }
0x136: {  	[tilespmem:s15+$0xFFFFFE60] =	vst v0;
	v0 =	vmul.f32 $8.000000000e+00, v6;
	v6 =	vld [tilespmem:s15+$0xFFFFFED0]  }
0x137: {  	[tilespmem:s15+$0xFFFFFE70] =	vst v3;
	v2 =	vmul.f32 $8.000000000e+00, v2;
	v3 =	vld [tilespmem:s15+$0xFFFFFEE0]  }
0x138: {  	[tilespmem:s15+$0xFFFFFE80] =	vst v0;
	v0 =	vmul.f32 $8.000000000e+00, v4;
	v4 =	vld [tilespmem:s15+$0xFFFFFEF0]  }
0x139: {  	[tilespmem:s15+$0xFFFFFE90] =	vst v2;
	v1 =	vmul.f32 $8.000000000e+00, v1;
	v2 =	vld [tilespmem:s15+$0xFFFFFF00]  }
0x13a: {  	[tilespmem:s15+$0xFFFFFEA0] =	vst v0;
	v0 =	vmul.f32 $8.000000000e+00, v5;
	v5 =	vld [tilespmem:s15+$0xFFFFFF10]  }
0x13b: {  	[tilespmem:s15+$0xFFFFFEB0] =	vst v1;
	v1 =	vmul.f32 $8.000000000e+00, v6;
	v6 =	vld [tilespmem:s15+$0xFFFFFF20]  }
0x13c: {  	[tilespmem:s15+$0xFFFFFEC0] =	vst v0;
	v0 =	vmul.f32 $8.000000000e+00, v3;
	v3 =	vld [tilespmem:s15+$0xFFFFFF30]  }
0x13d: {  	[tilespmem:s15+$0xFFFFFED0] =	vst v1;
	v1 =	vmul.f32 $8.000000000e+00, v4;
	v4 =	vld [tilespmem:s15+$0xFFFFFF40]  }
0x13e: {  	[tilespmem:s15+$0xFFFFFEE0] =	vst v0;
	v0 =	vmul.f32 $8.000000000e+00, v2;
	v2 =	vld [tilespmem:s15+$0xFFFFFF50]  }
0x13f: {  	[tilespmem:s15+$0xFFFFFEF0] =	vst v1;
	v1 =	vmul.f32 $8.000000000e+00, v5;
	v5 =	vld [tilespmem:s15+$0xFFFFFF60]  }
0x140: {  	[tilespmem:s15+$0xFFFFFF00] =	vst v0;
	v0 =	vmul.f32 $8.000000000e+00, v6;
	v6 =	vld [tilespmem:s15+$0xFFFFFF70]  }
0x141: {  	[tilespmem:s15+$0xFFFFFF10] =	vst v1;
	v1 =	vmul.f32 $8.000000000e+00, v3;
	v3 =	vld [tilespmem:s15+$0xFFFFFF80]  }
0x142: {  	[tilespmem:s15+$0xFFFFFF20] =	vst v0;
	v0 =	vmul.f32 $8.000000000e+00, v4;
	v4 =	vld [tilespmem:s15+$0xFFFFFF90]  }
0x143: {  	[tilespmem:s15+$0xFFFFFF30] =	vst v1;
	v1 =	vmul.f32 $8.000000000e+00, v2;
	v7 =	vld [tilespmem:s15+$0xFFFFFFA0]  }
0x144: {  	[tilespmem:s15+$0xFFFFFF40] =	vst v0;
	v2 =	vmul.f32 $8.000000000e+00, v5;
	v8 =	vld [tilespmem:s15+$0xFFFFFFB0]  }
.Ltmp3:
0x145: {  	[tilespmem:s15+$0xFFFFFF50] =	vst v1;
	v5 =	vmul.f32 $8.000000000e+00, v6;
	v0 =	vld [tilespmem:s15+$0xFFFFFFC0];
	(pc) =	sbr.rel @p0 .LBB2_9-.Ltmp3, $4  }
0x146: {  	[tilespmem:s15+$0xFFFFFF60] =	vst v2;
	v3 =	vmul.f32 $8.000000000e+00, v3;
	v1 =	vld [tilespmem:s15+$0xFFFFFFD0]  }
0x147: {  	[tilespmem:s15+$0xFFFFFF70] =	vst v5;
	v6 =	vmul.f32 $8.000000000e+00, v4;
	v2 =	vld [tilespmem:s15+$0xFFFFFFE0]  }
0x148: {  	[tilespmem:s15+$0xFFFFFF80] =	vst v3;
	v5 =	vmul.f32 $8.000000000e+00, v7;
	v3 =	vld [tilespmem:s15+$0xFFFFFFF0]  }
0x149: {  	s15 =	sadd.s32 $0x200, s15;
	v4 =	vld [tilespmem:s12+$0xFFFFFE10];
	[tilespmem:s12+$0xFFFFFF90] =	vst v6;
	v6 =	vmul.f32 $8.000000000e+00, v8  }
0x14a: {  	[tilespmem:s12+$0xFFFFFFA0] =	vst v5;
	v0 =	vmul.f32 $8.000000000e+00, v0  }
0x14b: {  	[tilespmem:s12+$0xFFFFFFB0] =	vst v6;
	v1 =	vmul.f32 $8.000000000e+00, v1  }
0x14c: {  	[tilespmem:s12+$0xFFFFFFC0] =	vst v0;
	v0 =	vmul.f32 $8.000000000e+00, v2  }
0x14d: {  	[tilespmem:s12+$0xFFFFFFD0] =	vst v1;
	v1 =	vmul.f32 $8.000000000e+00, v3  }
0x14e: {  	v2 =	vmul.f32 $8.000000000e+00, v4;
	[tilespmem:s12+$0xFFFFFFE0] =	vst v0  }
0x14f: {  	s13 =	sshll.u32 s31, $0xD;
	[tilespmem:s12+$0xFFFFFFF0] =	vst v1  }
0x150: {  	p0 =	seq.s32 s31, $0x18;
	s16 =	sadd.s32 s8, s13;
	[tilespmem:s12+$0xFFFFFE10] =	vst v2  }
0x151: {  	[hbm4b:s16+s3] =	stream.linear.scatter [tilespmem:s14], [sflag:$0x6], $0x4000, $0x38;
	[tilespmem:$0x16400] =	vst v63  }
0x152: {  	s12 =	sshll.u32 @!p0 s31, $0xA;
	_ =	swait.ge [sflag:s23], $0x4000  }
0x153: {  	s15 =	simm.s32 @!p0 $0x80;
	s12 =	sand.u32 @!p0 $0x3FFFFC00, s12;
	[sflag:s23] =	ssyncset.done $0x0  }
0x154: {  	s16 =	simm.s32 @!p0 $0x6400;
	s13 =	sadd.s32 @!p0 $0x400, s12;
	[sflag:s23] =	ssyncadd.s32 $0xFFFFC000  }
0x155: {  	[tilespmem:s16], [sflag:$0x1] =	stream.indirect.gather @!p0 [hbm4b:s4+s15], $0x40, s13, s15, $0xb8;
	[tilespmem:$0x16400] =	vst v63  }
0x156: {  	s13 =	sadd.s32 @!p0 $0x480, s12;
	s16 =	simm.s32 @!p0 $0x8400  }
0x157: {  	[tilespmem:s16], [sflag:$0x1] =	stream.indirect.gather @!p0 [hbm4b:s4+s15], $0x40, s13, s15, $0xb8;
	[tilespmem:$0x16400] =	vst v63  }
0x158: {  	_ =	swait.ge [sflag:s24], $0x2000  }
0x159: {  	[sflag:s24] =	ssyncset.done $0x0  }
0x15a: {  	s13 =	simm.s32 $0xE500;
	[sflag:s24] =	ssyncadd.s32 $0xFFFFE000  }
0x15b: {  	v0 =	vld [tilespmem:s13+$0xF0]  }
0x15c: {  	v1 =	vld [tilespmem:s13+$0xFFFFFF10]  }
0x15d: {  	v2 =	vld [tilespmem:s13+$0xFFFFFF20]  }
0x15e: {  	v3 =	vld [tilespmem:s13+$0xFFFFFF30]  }
0x15f: {  	v4 =	vld [tilespmem:s13+$0xFFFFFF40]  }
0x160: {  	v5 =	vld [tilespmem:s13+$0xFFFFFF50];
	v0 =	vmul.f32 $8.000000000e+00, v0  }
0x161: {  	v6 =	vld [tilespmem:s13+$0xFFFFFF60];
	v1 =	vmul.f32 $8.000000000e+00, v1  }
0x162: {  	v7 =	vld [tilespmem:s13+$0xFFFFFF70];
	v2 =	vmul.f32 $8.000000000e+00, v2;
	[tilespmem:s13+$0xF0] =	vst v0  }
0x163: {  	[tilespmem:s13+$0xFFFFFF10] =	vst v1;
	v0 =	vmul.f32 $8.000000000e+00, v3;
	v1 =	vld [tilespmem:s13+$0xFFFFFF80]  }
0x164: {  	[tilespmem:s13+$0xFFFFFF20] =	vst v2;
	v2 =	vmul.f32 $8.000000000e+00, v4;
	v3 =	vld [tilespmem:s13+$0xFFFFFF90]  }
0x165: {  	v4 =	vld [tilespmem:s13+$0xFFFFFFA0];
	[tilespmem:s13+$0xFFFFFF30] =	vst v0;
	v0 =	vmul.f32 $8.000000000e+00, v5  }
0x166: {  	[tilespmem:s13+$0xFFFFFF40] =	vst v2;
	v2 =	vmul.f32 $8.000000000e+00, v6;
	v5 =	vld [tilespmem:s13+$0xFFFFFFB0]  }
0x167: {  	v6 =	vld [tilespmem:s13+$0xFFFFFFC0];
	[tilespmem:s13+$0xFFFFFF50] =	vst v0;
	v0 =	vmul.f32 $8.000000000e+00, v7  }
0x168: {  	[tilespmem:s13+$0xFFFFFF60] =	vst v2;
	v2 =	vld [tilespmem:s13+$0xFFFFFFD0];
	v1 =	vmul.f32 $8.000000000e+00, v1  }
0x169: {  	[tilespmem:s13+$0xFFFFFF70] =	vst v0;
	v0 =	vmul.f32 $8.000000000e+00, v3;
	v3 =	vld [tilespmem:s13+$0xFFFFFFE0]  }
0x16a: {  	[tilespmem:s13+$0xFFFFFF80] =	vst v1;
	v1 =	vmul.f32 $8.000000000e+00, v4;
	v4 =	vld [tilespmem:s13+$0xFFFFFFF0]  }
0x16b: {  	[tilespmem:s13+$0xFFFFFF90] =	vst v0;
	v0 =	vmul.f32 $8.000000000e+00, v5;
	v5 =	vld [tilespmem:s13+$0x0]  }
0x16c: {  	[tilespmem:s13+$0xFFFFFFA0] =	vst v1;
	v1 =	vmul.f32 $8.000000000e+00, v6;
	v6 =	vld [tilespmem:s13+$0x10]  }
0x16d: {  	[tilespmem:s13+$0xFFFFFFB0] =	vst v0;
	v0 =	vmul.f32 $8.000000000e+00, v2;
	v2 =	vld [tilespmem:s13+$0x20]  }
0x16e: {  	[tilespmem:s13+$0xFFFFFFC0] =	vst v1;
	v1 =	vmul.f32 $8.000000000e+00, v3;
	v3 =	vld [tilespmem:s13+$0x30]  }
0x16f: {  	[tilespmem:s13+$0xFFFFFFD0] =	vst v0;
	v0 =	vmul.f32 $8.000000000e+00, v4;
	v4 =	vld [tilespmem:s13+$0x40]  }
0x170: {  	[tilespmem:s13+$0xFFFFFFE0] =	vst v1;
	v1 =	vmul.f32 $8.000000000e+00, v5;
	v5 =	vld [tilespmem:s13+$0x50]  }
0x171: {  	[tilespmem:s13+$0xFFFFFFF0] =	vst v0;
	v0 =	vmul.f32 $8.000000000e+00, v6;
	v6 =	vld [tilespmem:s13+$0x60]  }
0x172: {  	[tilespmem:s13+$0x0] =	vst v1;
	v1 =	vmul.f32 $8.000000000e+00, v2;
	v2 =	vld [tilespmem:s13+$0x70]  }
0x173: {  	[tilespmem:s13+$0x10] =	vst v0;
	v0 =	vmul.f32 $8.000000000e+00, v3;
	v3 =	vld [tilespmem:s13+$0x80]  }
0x174: {  	[tilespmem:s13+$0x20] =	vst v1;
	v1 =	vmul.f32 $8.000000000e+00, v4;
	v4 =	vld [tilespmem:s13+$0x90]  }
0x175: {  	v7 =	vld [tilespmem:s13+$0xA0];
	[tilespmem:s13+$0x30] =	vst v0;
	v5 =	vmul.f32 $8.000000000e+00, v5  }
0x176: {  	v0 =	vld [tilespmem:s13+$0xB0];
	[tilespmem:s13+$0x40] =	vst v1;
	v6 =	vmul.f32 $8.000000000e+00, v6  }
0x177: {  	v1 =	vld [tilespmem:s13+$0xC0];
	[tilespmem:s13+$0x50] =	vst v5;
	v5 =	vmul.f32 $8.000000000e+00, v2  }
0x178: {  	v2 =	vld [tilespmem:s13+$0xD0];
	[tilespmem:s13+$0x60] =	vst v6;
	v6 =	vmul.f32 $8.000000000e+00, v3  }
0x179: {  	v3 =	vld [tilespmem:s13+$0xE0];
	[tilespmem:s13+$0x70] =	vst v5;
	v5 =	vmul.f32 $8.000000000e+00, v4  }
0x17a: {  	s15 =	simm.s32 $0x0;
	s16 =	simm.s32 $0xE700;
	v4 =	vld [tilespmem:s13+$0xFFFFFF00];
	[tilespmem:s13+$0x80] =	vst v6;
	v6 =	vmul.f32 $8.000000000e+00, v7  }
.LBB2_11:
0x17b: {  	v7 =	vld [tilespmem:s16+$0xF0];
	s15 =	sadd.s32 $0x8, s15;
	[tilespmem:s13+$0x90] =	vst v5;
	v0 =	vmul.f32 $8.000000000e+00, v0  }
0x17c: {  	v5 =	vld [tilespmem:s16+$0xFFFFFF10];
	p1 =	slt.u32 s15, $0x78;
	[tilespmem:s13+$0xA0] =	vst v6;
	v1 =	vmul.f32 $8.000000000e+00, v1  }
0x17d: {  	v6 =	vld [tilespmem:s16+$0xFFFFFF20];
	[tilespmem:s13+$0xB0] =	vst v0;
	v0 =	vmul.f32 $8.000000000e+00, v2  }
0x17e: {  	v2 =	vld [tilespmem:s16+$0xFFFFFF30];
	[tilespmem:s13+$0xC0] =	vst v1;
	v1 =	vmul.f32 $8.000000000e+00, v3  }
0x17f: {  	v3 =	vld [tilespmem:s16+$0xFFFFFF40];
	v4 =	vmul.f32 $8.000000000e+00, v4;
	[tilespmem:s13+$0xD0] =	vst v0  }
0x180: {  	v0 =	vld [tilespmem:s16+$0xFFFFFF50];
	v7 =	vmul.f32 $8.000000000e+00, v7;
	[tilespmem:s13+$0xE0] =	vst v1  }
0x181: {  	v1 =	vmul.f32 $8.000000000e+00, v5;
	v5 =	vld [tilespmem:s16+$0xFFFFFF60];
	[tilespmem:s13+$0xFFFFFF00] =	vst v4;
	s13 =	smov.u32 s16  }
0x182: {  	v4 =	vmul.f32 $8.000000000e+00, v6;
	v6 =	vld [tilespmem:s16+$0xFFFFFF70];
	[tilespmem:s16+$0xF0] =	vst v7  }
0x183: {  	[tilespmem:s16+$0xFFFFFF10] =	vst v1;
	v1 =	vmul.f32 $8.000000000e+00, v2;
	v2 =	vld [tilespmem:s16+$0xFFFFFF80]  }
0x184: {  	[tilespmem:s16+$0xFFFFFF20] =	vst v4;
	v3 =	vmul.f32 $8.000000000e+00, v3;
	v4 =	vld [tilespmem:s16+$0xFFFFFF90]  }
0x185: {  	[tilespmem:s16+$0xFFFFFF30] =	vst v1;
	v0 =	vmul.f32 $8.000000000e+00, v0;
	v1 =	vld [tilespmem:s16+$0xFFFFFFA0]  }
0x186: {  	[tilespmem:s16+$0xFFFFFF40] =	vst v3;
	v3 =	vmul.f32 $8.000000000e+00, v5;
	v5 =	vld [tilespmem:s16+$0xFFFFFFB0]  }
0x187: {  	[tilespmem:s16+$0xFFFFFF50] =	vst v0;
	v0 =	vmul.f32 $8.000000000e+00, v6;
	v6 =	vld [tilespmem:s16+$0xFFFFFFC0]  }
0x188: {  	[tilespmem:s16+$0xFFFFFF60] =	vst v3;
	v2 =	vmul.f32 $8.000000000e+00, v2;
	v3 =	vld [tilespmem:s16+$0xFFFFFFD0]  }
0x189: {  	[tilespmem:s16+$0xFFFFFF70] =	vst v0;
	v0 =	vmul.f32 $8.000000000e+00, v4;
	v4 =	vld [tilespmem:s16+$0xFFFFFFE0]  }
0x18a: {  	[tilespmem:s16+$0xFFFFFF80] =	vst v2;
	v1 =	vmul.f32 $8.000000000e+00, v1;
	v2 =	vld [tilespmem:s16+$0xFFFFFFF0]  }
0x18b: {  	[tilespmem:s16+$0xFFFFFF90] =	vst v0;
	v0 =	vmul.f32 $8.000000000e+00, v5;
	v5 =	vld [tilespmem:s16+$0x0]  }
0x18c: {  	[tilespmem:s16+$0xFFFFFFA0] =	vst v1;
	v1 =	vmul.f32 $8.000000000e+00, v6;
	v6 =	vld [tilespmem:s16+$0x10]  }
0x18d: {  	[tilespmem:s16+$0xFFFFFFB0] =	vst v0;
	v0 =	vmul.f32 $8.000000000e+00, v3;
	v3 =	vld [tilespmem:s16+$0x20]  }
0x18e: {  	[tilespmem:s16+$0xFFFFFFC0] =	vst v1;
	v1 =	vmul.f32 $8.000000000e+00, v4;
	v4 =	vld [tilespmem:s16+$0x30]  }
0x18f: {  	[tilespmem:s16+$0xFFFFFFD0] =	vst v0;
	v0 =	vmul.f32 $8.000000000e+00, v2;
	v2 =	vld [tilespmem:s16+$0x40]  }
0x190: {  	[tilespmem:s16+$0xFFFFFFE0] =	vst v1;
	v1 =	vmul.f32 $8.000000000e+00, v5;
	v5 =	vld [tilespmem:s16+$0x50]  }
0x191: {  	[tilespmem:s16+$0xFFFFFFF0] =	vst v0;
	v0 =	vmul.f32 $8.000000000e+00, v6;
	v6 =	vld [tilespmem:s16+$0x60]  }
0x192: {  	[tilespmem:s16+$0x0] =	vst v1;
	v1 =	vmul.f32 $8.000000000e+00, v3;
	v3 =	vld [tilespmem:s16+$0x70]  }
0x193: {  	[tilespmem:s16+$0x10] =	vst v0;
	v0 =	vmul.f32 $8.000000000e+00, v4;
	v4 =	vld [tilespmem:s16+$0x80]  }
0x194: {  	[tilespmem:s16+$0x20] =	vst v1;
	v1 =	vmul.f32 $8.000000000e+00, v2;
	v7 =	vld [tilespmem:s16+$0x90]  }
0x195: {  	[tilespmem:s16+$0x30] =	vst v0;
	v2 =	vmul.f32 $8.000000000e+00, v5;
	v8 =	vld [tilespmem:s16+$0xA0]  }
.Ltmp4:
0x196: {  	[tilespmem:s16+$0x40] =	vst v1;
	v5 =	vmul.f32 $8.000000000e+00, v6;
	v0 =	vld [tilespmem:s16+$0xB0];
	(pc) =	sbr.rel @p1 .LBB2_11-.Ltmp4, $4  }
0x197: {  	[tilespmem:s16+$0x50] =	vst v2;
	v3 =	vmul.f32 $8.000000000e+00, v3;
	v1 =	vld [tilespmem:s16+$0xC0]  }
0x198: {  	[tilespmem:s16+$0x60] =	vst v5;
	v6 =	vmul.f32 $8.000000000e+00, v4;
	v2 =	vld [tilespmem:s16+$0xD0]  }
0x199: {  	[tilespmem:s16+$0x70] =	vst v3;
	v5 =	vmul.f32 $8.000000000e+00, v7;
	v3 =	vld [tilespmem:s16+$0xE0]  }
0x19a: {  	s16 =	sadd.s32 $0x200, s16;
	v4 =	vld [tilespmem:s13+$0xFFFFFF00];
	[tilespmem:s13+$0x80] =	vst v6;
	v6 =	vmul.f32 $8.000000000e+00, v8  }
0x19b: {  	[tilespmem:s13+$0x90] =	vst v5;
	v0 =	vmul.f32 $8.000000000e+00, v0  }
0x19c: {  	[tilespmem:s13+$0xA0] =	vst v6;
	v1 =	vmul.f32 $8.000000000e+00, v1  }
0x19d: {  	[tilespmem:s13+$0xB0] =	vst v0;
	v0 =	vmul.f32 $8.000000000e+00, v2  }
0x19e: {  	[tilespmem:s13+$0xC0] =	vst v1;
	v1 =	vmul.f32 $8.000000000e+00, v3  }
0x19f: {  	v2 =	vmul.f32 $8.000000000e+00, v4;
	[tilespmem:s13+$0xD0] =	vst v0  }
0x1a0: {  	[tilespmem:s13+$0xE0] =	vst v1  }
0x1a1: {  	[tilespmem:s13+$0xFFFFFF00] =	vst v2  }
0x1a2: {  	_ =	swait.ge [sflag:s24], $0x2000  }
0x1a3: {  	[sflag:s24] =	ssyncset.done $0x0  }
0x1a4: {  	s13 =	simm.s32 $0x105F0;
	[sflag:s24] =	ssyncadd.s32 $0xFFFFE000  }
0x1a5: {  	v0 =	vld [tilespmem:s13+$0x0]  }
0x1a6: {  	v1 =	vld [tilespmem:s13+$0xFFFFFE20]  }
0x1a7: {  	v2 =	vld [tilespmem:s13+$0xFFFFFE30]  }
0x1a8: {  	v3 =	vld [tilespmem:s13+$0xFFFFFE40]  }
0x1a9: {  	v4 =	vld [tilespmem:s13+$0xFFFFFE50]  }
0x1aa: {  	v5 =	vld [tilespmem:s13+$0xFFFFFE60];
	v0 =	vmul.f32 $8.000000000e+00, v0  }
0x1ab: {  	v6 =	vld [tilespmem:s13+$0xFFFFFE70];
	v1 =	vmul.f32 $8.000000000e+00, v1  }
0x1ac: {  	v7 =	vld [tilespmem:s13+$0xFFFFFE80];
	v2 =	vmul.f32 $8.000000000e+00, v2;
	[tilespmem:s13+$0x0] =	vst v0  }
0x1ad: {  	[tilespmem:s13+$0xFFFFFE20] =	vst v1;
	v0 =	vmul.f32 $8.000000000e+00, v3;
	v1 =	vld [tilespmem:s13+$0xFFFFFE90]  }
0x1ae: {  	[tilespmem:s13+$0xFFFFFE30] =	vst v2;
	v2 =	vmul.f32 $8.000000000e+00, v4;
	v3 =	vld [tilespmem:s13+$0xFFFFFEA0]  }
0x1af: {  	v4 =	vld [tilespmem:s13+$0xFFFFFEB0];
	[tilespmem:s13+$0xFFFFFE40] =	vst v0;
	v0 =	vmul.f32 $8.000000000e+00, v5  }
0x1b0: {  	[tilespmem:s13+$0xFFFFFE50] =	vst v2;
	v2 =	vmul.f32 $8.000000000e+00, v6;
	v5 =	vld [tilespmem:s13+$0xFFFFFEC0]  }
0x1b1: {  	v6 =	vld [tilespmem:s13+$0xFFFFFED0];
	[tilespmem:s13+$0xFFFFFE60] =	vst v0;
	v0 =	vmul.f32 $8.000000000e+00, v7  }
0x1b2: {  	[tilespmem:s13+$0xFFFFFE70] =	vst v2;
	v2 =	vld [tilespmem:s13+$0xFFFFFEE0];
	v1 =	vmul.f32 $8.000000000e+00, v1  }
0x1b3: {  	[tilespmem:s13+$0xFFFFFE80] =	vst v0;
	v0 =	vmul.f32 $8.000000000e+00, v3;
	v3 =	vld [tilespmem:s13+$0xFFFFFEF0]  }
0x1b4: {  	[tilespmem:s13+$0xFFFFFE90] =	vst v1;
	v1 =	vmul.f32 $8.000000000e+00, v4;
	v4 =	vld [tilespmem:s13+$0xFFFFFF00]  }
0x1b5: {  	[tilespmem:s13+$0xFFFFFEA0] =	vst v0;
	v0 =	vmul.f32 $8.000000000e+00, v5;
	v5 =	vld [tilespmem:s13+$0xFFFFFF10]  }
0x1b6: {  	[tilespmem:s13+$0xFFFFFEB0] =	vst v1;
	v1 =	vmul.f32 $8.000000000e+00, v6;
	v6 =	vld [tilespmem:s13+$0xFFFFFF20]  }
0x1b7: {  	[tilespmem:s13+$0xFFFFFEC0] =	vst v0;
	v0 =	vmul.f32 $8.000000000e+00, v2;
	v2 =	vld [tilespmem:s13+$0xFFFFFF30]  }
0x1b8: {  	[tilespmem:s13+$0xFFFFFED0] =	vst v1;
	v1 =	vmul.f32 $8.000000000e+00, v3;
	v3 =	vld [tilespmem:s13+$0xFFFFFF40]  }
0x1b9: {  	[tilespmem:s13+$0xFFFFFEE0] =	vst v0;
	v0 =	vmul.f32 $8.000000000e+00, v4;
	v4 =	vld [tilespmem:s13+$0xFFFFFF50]  }
0x1ba: {  	[tilespmem:s13+$0xFFFFFEF0] =	vst v1;
	v1 =	vmul.f32 $8.000000000e+00, v5;
	v5 =	vld [tilespmem:s13+$0xFFFFFF60]  }
0x1bb: {  	[tilespmem:s13+$0xFFFFFF00] =	vst v0;
	v0 =	vmul.f32 $8.000000000e+00, v6;
	v6 =	vld [tilespmem:s13+$0xFFFFFF70]  }
0x1bc: {  	[tilespmem:s13+$0xFFFFFF10] =	vst v1;
	v1 =	vmul.f32 $8.000000000e+00, v2;
	v2 =	vld [tilespmem:s13+$0xFFFFFF80]  }
0x1bd: {  	[tilespmem:s13+$0xFFFFFF20] =	vst v0;
	v0 =	vmul.f32 $8.000000000e+00, v3;
	v3 =	vld [tilespmem:s13+$0xFFFFFF90]  }
0x1be: {  	[tilespmem:s13+$0xFFFFFF30] =	vst v1;
	v1 =	vmul.f32 $8.000000000e+00, v4;
	v4 =	vld [tilespmem:s13+$0xFFFFFFA0]  }
0x1bf: {  	v7 =	vld [tilespmem:s13+$0xFFFFFFB0];
	[tilespmem:s13+$0xFFFFFF40] =	vst v0;
	v5 =	vmul.f32 $8.000000000e+00, v5  }
0x1c0: {  	v0 =	vld [tilespmem:s13+$0xFFFFFFC0];
	[tilespmem:s13+$0xFFFFFF50] =	vst v1;
	v6 =	vmul.f32 $8.000000000e+00, v6  }
0x1c1: {  	v1 =	vld [tilespmem:s13+$0xFFFFFFD0];
	[tilespmem:s13+$0xFFFFFF60] =	vst v5;
	v5 =	vmul.f32 $8.000000000e+00, v2  }
0x1c2: {  	v2 =	vld [tilespmem:s13+$0xFFFFFFE0];
	[tilespmem:s13+$0xFFFFFF70] =	vst v6;
	v6 =	vmul.f32 $8.000000000e+00, v3  }
0x1c3: {  	v3 =	vld [tilespmem:s13+$0xFFFFFFF0];
	[tilespmem:s13+$0xFFFFFF80] =	vst v5;
	v5 =	vmul.f32 $8.000000000e+00, v4  }
0x1c4: {  	s15 =	simm.s32 $0x0;
	s16 =	simm.s32 $0x107F0;
	v4 =	vld [tilespmem:s13+$0xFFFFFE10];
	[tilespmem:s13+$0xFFFFFF90] =	vst v6;
	v6 =	vmul.f32 $8.000000000e+00, v7  }
.LBB2_13:
0x1c5: {  	v7 =	vld [tilespmem:s16+$0x0];
	s15 =	sadd.s32 $0x8, s15;
	[tilespmem:s13+$0xFFFFFFA0] =	vst v5;
	v0 =	vmul.f32 $8.000000000e+00, v0  }
0x1c6: {  	v5 =	vld [tilespmem:s16+$0xFFFFFE20];
	p1 =	slt.u32 s15, $0x78;
	[tilespmem:s13+$0xFFFFFFB0] =	vst v6;
	v1 =	vmul.f32 $8.000000000e+00, v1  }
0x1c7: {  	v6 =	vld [tilespmem:s16+$0xFFFFFE30];
	[tilespmem:s13+$0xFFFFFFC0] =	vst v0;
	v0 =	vmul.f32 $8.000000000e+00, v2  }
0x1c8: {  	v2 =	vld [tilespmem:s16+$0xFFFFFE40];
	[tilespmem:s13+$0xFFFFFFD0] =	vst v1;
	v1 =	vmul.f32 $8.000000000e+00, v3  }
0x1c9: {  	v3 =	vld [tilespmem:s16+$0xFFFFFE50];
	v4 =	vmul.f32 $8.000000000e+00, v4;
	[tilespmem:s13+$0xFFFFFFE0] =	vst v0  }
0x1ca: {  	v0 =	vld [tilespmem:s16+$0xFFFFFE60];
	v7 =	vmul.f32 $8.000000000e+00, v7;
	[tilespmem:s13+$0xFFFFFFF0] =	vst v1  }
0x1cb: {  	v1 =	vmul.f32 $8.000000000e+00, v5;
	v5 =	vld [tilespmem:s16+$0xFFFFFE70];
	[tilespmem:s13+$0xFFFFFE10] =	vst v4;
	s13 =	smov.u32 s16  }
0x1cc: {  	v4 =	vmul.f32 $8.000000000e+00, v6;
	v6 =	vld [tilespmem:s16+$0xFFFFFE80];
	[tilespmem:s16+$0x0] =	vst v7  }
0x1cd: {  	[tilespmem:s16+$0xFFFFFE20] =	vst v1;
	v1 =	vmul.f32 $8.000000000e+00, v2;
	v2 =	vld [tilespmem:s16+$0xFFFFFE90]  }
0x1ce: {  	[tilespmem:s16+$0xFFFFFE30] =	vst v4;
	v3 =	vmul.f32 $8.000000000e+00, v3;
	v4 =	vld [tilespmem:s16+$0xFFFFFEA0]  }
0x1cf: {  	[tilespmem:s16+$0xFFFFFE40] =	vst v1;
	v0 =	vmul.f32 $8.000000000e+00, v0;
	v1 =	vld [tilespmem:s16+$0xFFFFFEB0]  }
0x1d0: {  	[tilespmem:s16+$0xFFFFFE50] =	vst v3;
	v3 =	vmul.f32 $8.000000000e+00, v5;
	v5 =	vld [tilespmem:s16+$0xFFFFFEC0]  }
0x1d1: {  	[tilespmem:s16+$0xFFFFFE60] =	vst v0;
	v0 =	vmul.f32 $8.000000000e+00, v6;
	v6 =	vld [tilespmem:s16+$0xFFFFFED0]  }
0x1d2: {  	[tilespmem:s16+$0xFFFFFE70] =	vst v3;
	v2 =	vmul.f32 $8.000000000e+00, v2;
	v3 =	vld [tilespmem:s16+$0xFFFFFEE0]  }
0x1d3: {  	[tilespmem:s16+$0xFFFFFE80] =	vst v0;
	v0 =	vmul.f32 $8.000000000e+00, v4;
	v4 =	vld [tilespmem:s16+$0xFFFFFEF0]  }
0x1d4: {  	[tilespmem:s16+$0xFFFFFE90] =	vst v2;
	v1 =	vmul.f32 $8.000000000e+00, v1;
	v2 =	vld [tilespmem:s16+$0xFFFFFF00]  }
0x1d5: {  	[tilespmem:s16+$0xFFFFFEA0] =	vst v0;
	v0 =	vmul.f32 $8.000000000e+00, v5;
	v5 =	vld [tilespmem:s16+$0xFFFFFF10]  }
0x1d6: {  	[tilespmem:s16+$0xFFFFFEB0] =	vst v1;
	v1 =	vmul.f32 $8.000000000e+00, v6;
	v6 =	vld [tilespmem:s16+$0xFFFFFF20]  }
0x1d7: {  	[tilespmem:s16+$0xFFFFFEC0] =	vst v0;
	v0 =	vmul.f32 $8.000000000e+00, v3;
	v3 =	vld [tilespmem:s16+$0xFFFFFF30]  }
0x1d8: {  	[tilespmem:s16+$0xFFFFFED0] =	vst v1;
	v1 =	vmul.f32 $8.000000000e+00, v4;
	v4 =	vld [tilespmem:s16+$0xFFFFFF40]  }
0x1d9: {  	[tilespmem:s16+$0xFFFFFEE0] =	vst v0;
	v0 =	vmul.f32 $8.000000000e+00, v2;
	v2 =	vld [tilespmem:s16+$0xFFFFFF50]  }
0x1da: {  	[tilespmem:s16+$0xFFFFFEF0] =	vst v1;
	v1 =	vmul.f32 $8.000000000e+00, v5;
	v5 =	vld [tilespmem:s16+$0xFFFFFF60]  }
0x1db: {  	[tilespmem:s16+$0xFFFFFF00] =	vst v0;
	v0 =	vmul.f32 $8.000000000e+00, v6;
	v6 =	vld [tilespmem:s16+$0xFFFFFF70]  }
0x1dc: {  	[tilespmem:s16+$0xFFFFFF10] =	vst v1;
	v1 =	vmul.f32 $8.000000000e+00, v3;
	v3 =	vld [tilespmem:s16+$0xFFFFFF80]  }
0x1dd: {  	[tilespmem:s16+$0xFFFFFF20] =	vst v0;
	v0 =	vmul.f32 $8.000000000e+00, v4;
	v4 =	vld [tilespmem:s16+$0xFFFFFF90]  }
0x1de: {  	[tilespmem:s16+$0xFFFFFF30] =	vst v1;
	v1 =	vmul.f32 $8.000000000e+00, v2;
	v7 =	vld [tilespmem:s16+$0xFFFFFFA0]  }
0x1df: {  	[tilespmem:s16+$0xFFFFFF40] =	vst v0;
	v2 =	vmul.f32 $8.000000000e+00, v5;
	v8 =	vld [tilespmem:s16+$0xFFFFFFB0]  }
.Ltmp5:
0x1e0: {  	[tilespmem:s16+$0xFFFFFF50] =	vst v1;
	v5 =	vmul.f32 $8.000000000e+00, v6;
	v0 =	vld [tilespmem:s16+$0xFFFFFFC0];
	(pc) =	sbr.rel @p1 .LBB2_13-.Ltmp5, $4  }
0x1e1: {  	[tilespmem:s16+$0xFFFFFF60] =	vst v2;
	v3 =	vmul.f32 $8.000000000e+00, v3;
	v1 =	vld [tilespmem:s16+$0xFFFFFFD0]  }
0x1e2: {  	[tilespmem:s16+$0xFFFFFF70] =	vst v5;
	v6 =	vmul.f32 $8.000000000e+00, v4;
	v2 =	vld [tilespmem:s16+$0xFFFFFFE0]  }
0x1e3: {  	[tilespmem:s16+$0xFFFFFF80] =	vst v3;
	v5 =	vmul.f32 $8.000000000e+00, v7;
	v3 =	vld [tilespmem:s16+$0xFFFFFFF0]  }
0x1e4: {  	s16 =	sadd.s32 $0x200, s16;
	v4 =	vld [tilespmem:s13+$0xFFFFFE10];
	[tilespmem:s13+$0xFFFFFF90] =	vst v6;
	v6 =	vmul.f32 $8.000000000e+00, v8  }
0x1e5: {  	[tilespmem:s13+$0xFFFFFFA0] =	vst v5;
	v0 =	vmul.f32 $8.000000000e+00, v0  }
0x1e6: {  	[tilespmem:s13+$0xFFFFFFB0] =	vst v6;
	v1 =	vmul.f32 $8.000000000e+00, v1  }
0x1e7: {  	[tilespmem:s13+$0xFFFFFFC0] =	vst v0;
	v0 =	vmul.f32 $8.000000000e+00, v2  }
0x1e8: {  	s1 =	sshll.u32 s1, $0xE;
	[tilespmem:s13+$0xFFFFFFD0] =	vst v1;
	v1 =	vmul.f32 $8.000000000e+00, v3  }
0x1e9: {  	s1 =	sadd.s32 s6, s1;
	v2 =	vmul.f32 $8.000000000e+00, v4;
	[tilespmem:s13+$0xFFFFFFE0] =	vst v0  }
0x1ea: {  	s1 =	sshrl.u32 s1, $0x3;
	[tilespmem:s13+$0xFFFFFFF0] =	vst v1  }
0x1eb: {  	s1 =	sadd.s32 s2, s1;
	[tilespmem:s13+$0xFFFFFE10] =	vst v2  }
0x1ec: {  	[hbm4b:s1+s3] =	stream.linear.scatter [tilespmem:s17], [sflag:$0x7], $0x4000, $0x38;
	[tilespmem:$0x16400] =	vst v63  }
0x1ed: {  	_ =	swait.ge [sflag:s25], $0x4000  }
0x1ee: {  	s15 =	simm.s32 @!p0 $0xA400;
	[sflag:s25] =	ssyncset.done $0x0  }
0x1ef: {  	s13 =	simm.s32 @!p0 $0x80;
	s1 =	sadd.s32 @!p0 $0x500, s12;
	[sflag:s25] =	ssyncadd.s32 $0xFFFFC000  }
0x1f0: {  	[tilespmem:s15], [sflag:$0x2] =	stream.indirect.gather @!p0 [hbm4b:s4+s13], $0x40, s1, s13, $0xb8;
	[tilespmem:$0x16400] =	vst v63  }
0x1f1: {  	s1 =	sadd.s32 @!p0 $0x580, s12;
	s12 =	simm.s32 @!p0 $0xC400  }
0x1f2: {  	[tilespmem:s12], [sflag:$0x2] =	stream.indirect.gather @!p0 [hbm4b:s4+s13], $0x40, s1, s13, $0xb8;
	[tilespmem:$0x16400] =	vst v63  }
0x1f3: {  	_ =	swait.ge [sflag:s26], $0x2000  }
0x1f4: {  	[sflag:s26] =	ssyncset.done $0x0  }
0x1f5: {  	s1 =	simm.s32 $0x12500;
	[sflag:s26] =	ssyncadd.s32 $0xFFFFE000  }
0x1f6: {  	v0 =	vld [tilespmem:s1+$0xF0]  }
0x1f7: {  	v1 =	vld [tilespmem:s1+$0xFFFFFF10]  }
0x1f8: {  	v2 =	vld [tilespmem:s1+$0xFFFFFF20]  }
0x1f9: {  	v3 =	vld [tilespmem:s1+$0xFFFFFF30]  }
0x1fa: {  	v4 =	vld [tilespmem:s1+$0xFFFFFF40]  }
0x1fb: {  	v5 =	vld [tilespmem:s1+$0xFFFFFF50];
	v0 =	vmul.f32 $8.000000000e+00, v0  }
0x1fc: {  	v6 =	vld [tilespmem:s1+$0xFFFFFF60];
	v1 =	vmul.f32 $8.000000000e+00, v1  }
0x1fd: {  	v7 =	vld [tilespmem:s1+$0xFFFFFF70];
	v2 =	vmul.f32 $8.000000000e+00, v2;
	[tilespmem:s1+$0xF0] =	vst v0  }
0x1fe: {  	[tilespmem:s1+$0xFFFFFF10] =	vst v1;
	v0 =	vmul.f32 $8.000000000e+00, v3;
	v1 =	vld [tilespmem:s1+$0xFFFFFF80]  }
0x1ff: {  	[tilespmem:s1+$0xFFFFFF20] =	vst v2;
	v2 =	vmul.f32 $8.000000000e+00, v4;
	v3 =	vld [tilespmem:s1+$0xFFFFFF90]  }
0x200: {  	v4 =	vld [tilespmem:s1+$0xFFFFFFA0];
	[tilespmem:s1+$0xFFFFFF30] =	vst v0;
	v0 =	vmul.f32 $8.000000000e+00, v5  }
0x201: {  	[tilespmem:s1+$0xFFFFFF40] =	vst v2;
	v2 =	vmul.f32 $8.000000000e+00, v6;
	v5 =	vld [tilespmem:s1+$0xFFFFFFB0]  }
0x202: {  	v6 =	vld [tilespmem:s1+$0xFFFFFFC0];
	[tilespmem:s1+$0xFFFFFF50] =	vst v0;
	v0 =	vmul.f32 $8.000000000e+00, v7  }
0x203: {  	[tilespmem:s1+$0xFFFFFF60] =	vst v2;
	v2 =	vld [tilespmem:s1+$0xFFFFFFD0];
	v1 =	vmul.f32 $8.000000000e+00, v1  }
0x204: {  	[tilespmem:s1+$0xFFFFFF70] =	vst v0;
	v0 =	vmul.f32 $8.000000000e+00, v3;
	v3 =	vld [tilespmem:s1+$0xFFFFFFE0]  }
0x205: {  	[tilespmem:s1+$0xFFFFFF80] =	vst v1;
	v1 =	vmul.f32 $8.000000000e+00, v4;
	v4 =	vld [tilespmem:s1+$0xFFFFFFF0]  }
0x206: {  	[tilespmem:s1+$0xFFFFFF90] =	vst v0;
	v0 =	vmul.f32 $8.000000000e+00, v5;
	v5 =	vld [tilespmem:s1+$0x0]  }
0x207: {  	[tilespmem:s1+$0xFFFFFFA0] =	vst v1;
	v1 =	vmul.f32 $8.000000000e+00, v6;
	v6 =	vld [tilespmem:s1+$0x10]  }
0x208: {  	[tilespmem:s1+$0xFFFFFFB0] =	vst v0;
	v0 =	vmul.f32 $8.000000000e+00, v2;
	v2 =	vld [tilespmem:s1+$0x20]  }
0x209: {  	[tilespmem:s1+$0xFFFFFFC0] =	vst v1;
	v1 =	vmul.f32 $8.000000000e+00, v3;
	v3 =	vld [tilespmem:s1+$0x30]  }
0x20a: {  	[tilespmem:s1+$0xFFFFFFD0] =	vst v0;
	v0 =	vmul.f32 $8.000000000e+00, v4;
	v4 =	vld [tilespmem:s1+$0x40]  }
0x20b: {  	[tilespmem:s1+$0xFFFFFFE0] =	vst v1;
	v1 =	vmul.f32 $8.000000000e+00, v5;
	v5 =	vld [tilespmem:s1+$0x50]  }
0x20c: {  	[tilespmem:s1+$0xFFFFFFF0] =	vst v0;
	v0 =	vmul.f32 $8.000000000e+00, v6;
	v6 =	vld [tilespmem:s1+$0x60]  }
0x20d: {  	[tilespmem:s1+$0x0] =	vst v1;
	v1 =	vmul.f32 $8.000000000e+00, v2;
	v2 =	vld [tilespmem:s1+$0x70]  }
0x20e: {  	[tilespmem:s1+$0x10] =	vst v0;
	v0 =	vmul.f32 $8.000000000e+00, v3;
	v3 =	vld [tilespmem:s1+$0x80]  }
0x20f: {  	[tilespmem:s1+$0x20] =	vst v1;
	v1 =	vmul.f32 $8.000000000e+00, v4;
	v4 =	vld [tilespmem:s1+$0x90]  }
0x210: {  	v7 =	vld [tilespmem:s1+$0xA0];
	[tilespmem:s1+$0x30] =	vst v0;
	v5 =	vmul.f32 $8.000000000e+00, v5  }
0x211: {  	v0 =	vld [tilespmem:s1+$0xB0];
	[tilespmem:s1+$0x40] =	vst v1;
	v6 =	vmul.f32 $8.000000000e+00, v6  }
0x212: {  	v1 =	vld [tilespmem:s1+$0xC0];
	[tilespmem:s1+$0x50] =	vst v5;
	v5 =	vmul.f32 $8.000000000e+00, v2  }
0x213: {  	v2 =	vld [tilespmem:s1+$0xD0];
	[tilespmem:s1+$0x60] =	vst v6;
	v6 =	vmul.f32 $8.000000000e+00, v3  }
0x214: {  	v3 =	vld [tilespmem:s1+$0xE0];
	[tilespmem:s1+$0x70] =	vst v5;
	v5 =	vmul.f32 $8.000000000e+00, v4  }
0x215: {  	s12 =	simm.s32 $0x0;
	s13 =	simm.s32 $0x12700;
	v4 =	vld [tilespmem:s1+$0xFFFFFF00];
	[tilespmem:s1+$0x80] =	vst v6;
	v6 =	vmul.f32 $8.000000000e+00, v7  }
.LBB2_15:
0x216: {  	v7 =	vld [tilespmem:s13+$0xF0];
	s12 =	sadd.s32 $0x8, s12;
	[tilespmem:s1+$0x90] =	vst v5;
	v0 =	vmul.f32 $8.000000000e+00, v0  }
0x217: {  	v5 =	vld [tilespmem:s13+$0xFFFFFF10];
	p0 =	slt.u32 s12, $0x78;
	[tilespmem:s1+$0xA0] =	vst v6;
	v1 =	vmul.f32 $8.000000000e+00, v1  }
0x218: {  	v6 =	vld [tilespmem:s13+$0xFFFFFF20];
	[tilespmem:s1+$0xB0] =	vst v0;
	v0 =	vmul.f32 $8.000000000e+00, v2  }
0x219: {  	v2 =	vld [tilespmem:s13+$0xFFFFFF30];
	[tilespmem:s1+$0xC0] =	vst v1;
	v1 =	vmul.f32 $8.000000000e+00, v3  }
0x21a: {  	v3 =	vld [tilespmem:s13+$0xFFFFFF40];
	v4 =	vmul.f32 $8.000000000e+00, v4;
	[tilespmem:s1+$0xD0] =	vst v0  }
0x21b: {  	v0 =	vld [tilespmem:s13+$0xFFFFFF50];
	v7 =	vmul.f32 $8.000000000e+00, v7;
	[tilespmem:s1+$0xE0] =	vst v1  }
0x21c: {  	v1 =	vmul.f32 $8.000000000e+00, v5;
	v5 =	vld [tilespmem:s13+$0xFFFFFF60];
	[tilespmem:s1+$0xFFFFFF00] =	vst v4;
	s1 =	smov.u32 s13  }
0x21d: {  	v4 =	vmul.f32 $8.000000000e+00, v6;
	v6 =	vld [tilespmem:s13+$0xFFFFFF70];
	[tilespmem:s13+$0xF0] =	vst v7  }
0x21e: {  	[tilespmem:s13+$0xFFFFFF10] =	vst v1;
	v1 =	vmul.f32 $8.000000000e+00, v2;
	v2 =	vld [tilespmem:s13+$0xFFFFFF80]  }
0x21f: {  	[tilespmem:s13+$0xFFFFFF20] =	vst v4;
	v3 =	vmul.f32 $8.000000000e+00, v3;
	v4 =	vld [tilespmem:s13+$0xFFFFFF90]  }
0x220: {  	[tilespmem:s13+$0xFFFFFF30] =	vst v1;
	v0 =	vmul.f32 $8.000000000e+00, v0;
	v1 =	vld [tilespmem:s13+$0xFFFFFFA0]  }
0x221: {  	[tilespmem:s13+$0xFFFFFF40] =	vst v3;
	v3 =	vmul.f32 $8.000000000e+00, v5;
	v5 =	vld [tilespmem:s13+$0xFFFFFFB0]  }
0x222: {  	[tilespmem:s13+$0xFFFFFF50] =	vst v0;
	v0 =	vmul.f32 $8.000000000e+00, v6;
	v6 =	vld [tilespmem:s13+$0xFFFFFFC0]  }
0x223: {  	[tilespmem:s13+$0xFFFFFF60] =	vst v3;
	v2 =	vmul.f32 $8.000000000e+00, v2;
	v3 =	vld [tilespmem:s13+$0xFFFFFFD0]  }
0x224: {  	[tilespmem:s13+$0xFFFFFF70] =	vst v0;
	v0 =	vmul.f32 $8.000000000e+00, v4;
	v4 =	vld [tilespmem:s13+$0xFFFFFFE0]  }
0x225: {  	[tilespmem:s13+$0xFFFFFF80] =	vst v2;
	v1 =	vmul.f32 $8.000000000e+00, v1;
	v2 =	vld [tilespmem:s13+$0xFFFFFFF0]  }
0x226: {  	[tilespmem:s13+$0xFFFFFF90] =	vst v0;
	v0 =	vmul.f32 $8.000000000e+00, v5;
	v5 =	vld [tilespmem:s13+$0x0]  }
0x227: {  	[tilespmem:s13+$0xFFFFFFA0] =	vst v1;
	v1 =	vmul.f32 $8.000000000e+00, v6;
	v6 =	vld [tilespmem:s13+$0x10]  }
0x228: {  	[tilespmem:s13+$0xFFFFFFB0] =	vst v0;
	v0 =	vmul.f32 $8.000000000e+00, v3;
	v3 =	vld [tilespmem:s13+$0x20]  }
0x229: {  	[tilespmem:s13+$0xFFFFFFC0] =	vst v1;
	v1 =	vmul.f32 $8.000000000e+00, v4;
	v4 =	vld [tilespmem:s13+$0x30]  }
0x22a: {  	[tilespmem:s13+$0xFFFFFFD0] =	vst v0;
	v0 =	vmul.f32 $8.000000000e+00, v2;
	v2 =	vld [tilespmem:s13+$0x40]  }
0x22b: {  	[tilespmem:s13+$0xFFFFFFE0] =	vst v1;
	v1 =	vmul.f32 $8.000000000e+00, v5;
	v5 =	vld [tilespmem:s13+$0x50]  }
0x22c: {  	[tilespmem:s13+$0xFFFFFFF0] =	vst v0;
	v0 =	vmul.f32 $8.000000000e+00, v6;
	v6 =	vld [tilespmem:s13+$0x60]  }
0x22d: {  	[tilespmem:s13+$0x0] =	vst v1;
	v1 =	vmul.f32 $8.000000000e+00, v3;
	v3 =	vld [tilespmem:s13+$0x70]  }
0x22e: {  	[tilespmem:s13+$0x10] =	vst v0;
	v0 =	vmul.f32 $8.000000000e+00, v4;
	v4 =	vld [tilespmem:s13+$0x80]  }
0x22f: {  	[tilespmem:s13+$0x20] =	vst v1;
	v1 =	vmul.f32 $8.000000000e+00, v2;
	v7 =	vld [tilespmem:s13+$0x90]  }
0x230: {  	[tilespmem:s13+$0x30] =	vst v0;
	v2 =	vmul.f32 $8.000000000e+00, v5;
	v8 =	vld [tilespmem:s13+$0xA0]  }
.Ltmp6:
0x231: {  	[tilespmem:s13+$0x40] =	vst v1;
	v5 =	vmul.f32 $8.000000000e+00, v6;
	v0 =	vld [tilespmem:s13+$0xB0];
	(pc) =	sbr.rel @p0 .LBB2_15-.Ltmp6, $4  }
0x232: {  	[tilespmem:s13+$0x50] =	vst v2;
	v3 =	vmul.f32 $8.000000000e+00, v3;
	v1 =	vld [tilespmem:s13+$0xC0]  }
0x233: {  	[tilespmem:s13+$0x60] =	vst v5;
	v6 =	vmul.f32 $8.000000000e+00, v4;
	v2 =	vld [tilespmem:s13+$0xD0]  }
0x234: {  	[tilespmem:s13+$0x70] =	vst v3;
	v5 =	vmul.f32 $8.000000000e+00, v7;
	v3 =	vld [tilespmem:s13+$0xE0]  }
0x235: {  	s13 =	sadd.s32 $0x200, s13;
	v4 =	vld [tilespmem:s1+$0xFFFFFF00];
	[tilespmem:s1+$0x80] =	vst v6;
	v6 =	vmul.f32 $8.000000000e+00, v8  }
0x236: {  	[tilespmem:s1+$0x90] =	vst v5;
	v0 =	vmul.f32 $8.000000000e+00, v0  }
0x237: {  	[tilespmem:s1+$0xA0] =	vst v6;
	v1 =	vmul.f32 $8.000000000e+00, v1  }
0x238: {  	[tilespmem:s1+$0xB0] =	vst v0;
	v0 =	vmul.f32 $8.000000000e+00, v2  }
0x239: {  	[tilespmem:s1+$0xC0] =	vst v1;
	v1 =	vmul.f32 $8.000000000e+00, v3  }
0x23a: {  	v2 =	vmul.f32 $8.000000000e+00, v4;
	[tilespmem:s1+$0xD0] =	vst v0  }
0x23b: {  	[tilespmem:s1+$0xE0] =	vst v1  }
0x23c: {  	[tilespmem:s1+$0xFFFFFF00] =	vst v2  }
0x23d: {  	_ =	swait.ge [sflag:s26], $0x2000  }
0x23e: {  	[sflag:s26] =	ssyncset.done $0x0  }
0x23f: {  	s1 =	simm.s32 $0x145F0;
	[sflag:s26] =	ssyncadd.s32 $0xFFFFE000  }
0x240: {  	v0 =	vld [tilespmem:s1+$0x0]  }
0x241: {  	v1 =	vld [tilespmem:s1+$0xFFFFFE20]  }
0x242: {  	v2 =	vld [tilespmem:s1+$0xFFFFFE30]  }
0x243: {  	v3 =	vld [tilespmem:s1+$0xFFFFFE40]  }
0x244: {  	v4 =	vld [tilespmem:s1+$0xFFFFFE50]  }
0x245: {  	v5 =	vld [tilespmem:s1+$0xFFFFFE60];
	v0 =	vmul.f32 $8.000000000e+00, v0  }
0x246: {  	v6 =	vld [tilespmem:s1+$0xFFFFFE70];
	v1 =	vmul.f32 $8.000000000e+00, v1  }
0x247: {  	v7 =	vld [tilespmem:s1+$0xFFFFFE80];
	v2 =	vmul.f32 $8.000000000e+00, v2;
	[tilespmem:s1+$0x0] =	vst v0  }
0x248: {  	[tilespmem:s1+$0xFFFFFE20] =	vst v1;
	v0 =	vmul.f32 $8.000000000e+00, v3;
	v1 =	vld [tilespmem:s1+$0xFFFFFE90]  }
0x249: {  	[tilespmem:s1+$0xFFFFFE30] =	vst v2;
	v2 =	vmul.f32 $8.000000000e+00, v4;
	v3 =	vld [tilespmem:s1+$0xFFFFFEA0]  }
0x24a: {  	v4 =	vld [tilespmem:s1+$0xFFFFFEB0];
	[tilespmem:s1+$0xFFFFFE40] =	vst v0;
	v0 =	vmul.f32 $8.000000000e+00, v5  }
0x24b: {  	[tilespmem:s1+$0xFFFFFE50] =	vst v2;
	v2 =	vmul.f32 $8.000000000e+00, v6;
	v5 =	vld [tilespmem:s1+$0xFFFFFEC0]  }
0x24c: {  	v6 =	vld [tilespmem:s1+$0xFFFFFED0];
	[tilespmem:s1+$0xFFFFFE60] =	vst v0;
	v0 =	vmul.f32 $8.000000000e+00, v7  }
0x24d: {  	[tilespmem:s1+$0xFFFFFE70] =	vst v2;
	v2 =	vld [tilespmem:s1+$0xFFFFFEE0];
	v1 =	vmul.f32 $8.000000000e+00, v1  }
0x24e: {  	[tilespmem:s1+$0xFFFFFE80] =	vst v0;
	v0 =	vmul.f32 $8.000000000e+00, v3;
	v3 =	vld [tilespmem:s1+$0xFFFFFEF0]  }
0x24f: {  	[tilespmem:s1+$0xFFFFFE90] =	vst v1;
	v1 =	vmul.f32 $8.000000000e+00, v4;
	v4 =	vld [tilespmem:s1+$0xFFFFFF00]  }
0x250: {  	[tilespmem:s1+$0xFFFFFEA0] =	vst v0;
	v0 =	vmul.f32 $8.000000000e+00, v5;
	v5 =	vld [tilespmem:s1+$0xFFFFFF10]  }
0x251: {  	[tilespmem:s1+$0xFFFFFEB0] =	vst v1;
	v1 =	vmul.f32 $8.000000000e+00, v6;
	v6 =	vld [tilespmem:s1+$0xFFFFFF20]  }
0x252: {  	[tilespmem:s1+$0xFFFFFEC0] =	vst v0;
	v0 =	vmul.f32 $8.000000000e+00, v2;
	v2 =	vld [tilespmem:s1+$0xFFFFFF30]  }
0x253: {  	[tilespmem:s1+$0xFFFFFED0] =	vst v1;
	v1 =	vmul.f32 $8.000000000e+00, v3;
	v3 =	vld [tilespmem:s1+$0xFFFFFF40]  }
0x254: {  	[tilespmem:s1+$0xFFFFFEE0] =	vst v0;
	v0 =	vmul.f32 $8.000000000e+00, v4;
	v4 =	vld [tilespmem:s1+$0xFFFFFF50]  }
0x255: {  	[tilespmem:s1+$0xFFFFFEF0] =	vst v1;
	v1 =	vmul.f32 $8.000000000e+00, v5;
	v5 =	vld [tilespmem:s1+$0xFFFFFF60]  }
0x256: {  	[tilespmem:s1+$0xFFFFFF00] =	vst v0;
	v0 =	vmul.f32 $8.000000000e+00, v6;
	v6 =	vld [tilespmem:s1+$0xFFFFFF70]  }
0x257: {  	[tilespmem:s1+$0xFFFFFF10] =	vst v1;
	v1 =	vmul.f32 $8.000000000e+00, v2;
	v2 =	vld [tilespmem:s1+$0xFFFFFF80]  }
0x258: {  	[tilespmem:s1+$0xFFFFFF20] =	vst v0;
	v0 =	vmul.f32 $8.000000000e+00, v3;
	v3 =	vld [tilespmem:s1+$0xFFFFFF90]  }
0x259: {  	[tilespmem:s1+$0xFFFFFF30] =	vst v1;
	v1 =	vmul.f32 $8.000000000e+00, v4;
	v4 =	vld [tilespmem:s1+$0xFFFFFFA0]  }
0x25a: {  	v7 =	vld [tilespmem:s1+$0xFFFFFFB0];
	[tilespmem:s1+$0xFFFFFF40] =	vst v0;
	v5 =	vmul.f32 $8.000000000e+00, v5  }
0x25b: {  	v0 =	vld [tilespmem:s1+$0xFFFFFFC0];
	[tilespmem:s1+$0xFFFFFF50] =	vst v1;
	v6 =	vmul.f32 $8.000000000e+00, v6  }
0x25c: {  	v1 =	vld [tilespmem:s1+$0xFFFFFFD0];
	[tilespmem:s1+$0xFFFFFF60] =	vst v5;
	v5 =	vmul.f32 $8.000000000e+00, v2  }
0x25d: {  	v2 =	vld [tilespmem:s1+$0xFFFFFFE0];
	[tilespmem:s1+$0xFFFFFF70] =	vst v6;
	v6 =	vmul.f32 $8.000000000e+00, v3  }
0x25e: {  	v3 =	vld [tilespmem:s1+$0xFFFFFFF0];
	[tilespmem:s1+$0xFFFFFF80] =	vst v5;
	v5 =	vmul.f32 $8.000000000e+00, v4  }
0x25f: {  	s12 =	simm.s32 $0x0;
	s13 =	simm.s32 $0x147F0;
	v4 =	vld [tilespmem:s1+$0xFFFFFE10];
	[tilespmem:s1+$0xFFFFFF90] =	vst v6;
	v6 =	vmul.f32 $8.000000000e+00, v7  }
.LBB2_17:
0x260: {  	v7 =	vld [tilespmem:s13+$0x0];
	s12 =	sadd.s32 $0x8, s12;
	[tilespmem:s1+$0xFFFFFFA0] =	vst v5;
	v0 =	vmul.f32 $8.000000000e+00, v0  }
0x261: {  	v5 =	vld [tilespmem:s13+$0xFFFFFE20];
	p0 =	slt.u32 s12, $0x78;
	[tilespmem:s1+$0xFFFFFFB0] =	vst v6;
	v1 =	vmul.f32 $8.000000000e+00, v1  }
0x262: {  	v6 =	vld [tilespmem:s13+$0xFFFFFE30];
	[tilespmem:s1+$0xFFFFFFC0] =	vst v0;
	v0 =	vmul.f32 $8.000000000e+00, v2  }
0x263: {  	v2 =	vld [tilespmem:s13+$0xFFFFFE40];
	[tilespmem:s1+$0xFFFFFFD0] =	vst v1;
	v1 =	vmul.f32 $8.000000000e+00, v3  }
0x264: {  	v3 =	vld [tilespmem:s13+$0xFFFFFE50];
	v4 =	vmul.f32 $8.000000000e+00, v4;
	[tilespmem:s1+$0xFFFFFFE0] =	vst v0  }
0x265: {  	v0 =	vld [tilespmem:s13+$0xFFFFFE60];
	v7 =	vmul.f32 $8.000000000e+00, v7;
	[tilespmem:s1+$0xFFFFFFF0] =	vst v1  }
0x266: {  	v1 =	vmul.f32 $8.000000000e+00, v5;
	v5 =	vld [tilespmem:s13+$0xFFFFFE70];
	[tilespmem:s1+$0xFFFFFE10] =	vst v4;
	s1 =	smov.u32 s13  }
0x267: {  	v4 =	vmul.f32 $8.000000000e+00, v6;
	v6 =	vld [tilespmem:s13+$0xFFFFFE80];
	[tilespmem:s13+$0x0] =	vst v7  }
0x268: {  	[tilespmem:s13+$0xFFFFFE20] =	vst v1;
	v1 =	vmul.f32 $8.000000000e+00, v2;
	v2 =	vld [tilespmem:s13+$0xFFFFFE90]  }
0x269: {  	[tilespmem:s13+$0xFFFFFE30] =	vst v4;
	v3 =	vmul.f32 $8.000000000e+00, v3;
	v4 =	vld [tilespmem:s13+$0xFFFFFEA0]  }
0x26a: {  	[tilespmem:s13+$0xFFFFFE40] =	vst v1;
	v0 =	vmul.f32 $8.000000000e+00, v0;
	v1 =	vld [tilespmem:s13+$0xFFFFFEB0]  }
0x26b: {  	[tilespmem:s13+$0xFFFFFE50] =	vst v3;
	v3 =	vmul.f32 $8.000000000e+00, v5;
	v5 =	vld [tilespmem:s13+$0xFFFFFEC0]  }
0x26c: {  	[tilespmem:s13+$0xFFFFFE60] =	vst v0;
	v0 =	vmul.f32 $8.000000000e+00, v6;
	v6 =	vld [tilespmem:s13+$0xFFFFFED0]  }
0x26d: {  	[tilespmem:s13+$0xFFFFFE70] =	vst v3;
	v2 =	vmul.f32 $8.000000000e+00, v2;
	v3 =	vld [tilespmem:s13+$0xFFFFFEE0]  }
0x26e: {  	[tilespmem:s13+$0xFFFFFE80] =	vst v0;
	v0 =	vmul.f32 $8.000000000e+00, v4;
	v4 =	vld [tilespmem:s13+$0xFFFFFEF0]  }
0x26f: {  	[tilespmem:s13+$0xFFFFFE90] =	vst v2;
	v1 =	vmul.f32 $8.000000000e+00, v1;
	v2 =	vld [tilespmem:s13+$0xFFFFFF00]  }
0x270: {  	[tilespmem:s13+$0xFFFFFEA0] =	vst v0;
	v0 =	vmul.f32 $8.000000000e+00, v5;
	v5 =	vld [tilespmem:s13+$0xFFFFFF10]  }
0x271: {  	[tilespmem:s13+$0xFFFFFEB0] =	vst v1;
	v1 =	vmul.f32 $8.000000000e+00, v6;
	v6 =	vld [tilespmem:s13+$0xFFFFFF20]  }
0x272: {  	[tilespmem:s13+$0xFFFFFEC0] =	vst v0;
	v0 =	vmul.f32 $8.000000000e+00, v3;
	v3 =	vld [tilespmem:s13+$0xFFFFFF30]  }
0x273: {  	[tilespmem:s13+$0xFFFFFED0] =	vst v1;
	v1 =	vmul.f32 $8.000000000e+00, v4;
	v4 =	vld [tilespmem:s13+$0xFFFFFF40]  }
0x274: {  	[tilespmem:s13+$0xFFFFFEE0] =	vst v0;
	v0 =	vmul.f32 $8.000000000e+00, v2;
	v2 =	vld [tilespmem:s13+$0xFFFFFF50]  }
0x275: {  	[tilespmem:s13+$0xFFFFFEF0] =	vst v1;
	v1 =	vmul.f32 $8.000000000e+00, v5;
	v5 =	vld [tilespmem:s13+$0xFFFFFF60]  }
0x276: {  	[tilespmem:s13+$0xFFFFFF00] =	vst v0;
	v0 =	vmul.f32 $8.000000000e+00, v6;
	v6 =	vld [tilespmem:s13+$0xFFFFFF70]  }
0x277: {  	[tilespmem:s13+$0xFFFFFF10] =	vst v1;
	v1 =	vmul.f32 $8.000000000e+00, v3;
	v3 =	vld [tilespmem:s13+$0xFFFFFF80]  }
0x278: {  	[tilespmem:s13+$0xFFFFFF20] =	vst v0;
	v0 =	vmul.f32 $8.000000000e+00, v4;
	v4 =	vld [tilespmem:s13+$0xFFFFFF90]  }
0x279: {  	[tilespmem:s13+$0xFFFFFF30] =	vst v1;
	v1 =	vmul.f32 $8.000000000e+00, v2;
	v7 =	vld [tilespmem:s13+$0xFFFFFFA0]  }
0x27a: {  	[tilespmem:s13+$0xFFFFFF40] =	vst v0;
	v2 =	vmul.f32 $8.000000000e+00, v5;
	v8 =	vld [tilespmem:s13+$0xFFFFFFB0]  }
.Ltmp7:
0x27b: {  	[tilespmem:s13+$0xFFFFFF50] =	vst v1;
	v5 =	vmul.f32 $8.000000000e+00, v6;
	v0 =	vld [tilespmem:s13+$0xFFFFFFC0];
	(pc) =	sbr.rel @p0 .LBB2_17-.Ltmp7, $4  }
0x27c: {  	[tilespmem:s13+$0xFFFFFF60] =	vst v2;
	v3 =	vmul.f32 $8.000000000e+00, v3;
	v1 =	vld [tilespmem:s13+$0xFFFFFFD0]  }
0x27d: {  	[tilespmem:s13+$0xFFFFFF70] =	vst v5;
	v6 =	vmul.f32 $8.000000000e+00, v4;
	v2 =	vld [tilespmem:s13+$0xFFFFFFE0]  }
0x27e: {  	[tilespmem:s13+$0xFFFFFF80] =	vst v3;
	v5 =	vmul.f32 $8.000000000e+00, v7;
	v3 =	vld [tilespmem:s13+$0xFFFFFFF0]  }
0x27f: {  	s13 =	sadd.s32 $0x200, s13;
	v4 =	vld [tilespmem:s1+$0xFFFFFE10];
	[tilespmem:s1+$0xFFFFFF90] =	vst v6;
	v6 =	vmul.f32 $8.000000000e+00, v8  }
0x280: {  	[tilespmem:s1+$0xFFFFFFA0] =	vst v5;
	v0 =	vmul.f32 $8.000000000e+00, v0  }
0x281: {  	s31 =	sadd.s32 $0x1, s31;
	[tilespmem:s1+$0xFFFFFFB0] =	vst v6;
	v1 =	vmul.f32 $8.000000000e+00, v1  }
0x282: {  	p0 =	sne.s32 s31, $0x19;
	[tilespmem:s1+$0xFFFFFFC0] =	vst v0;
	v61 =	vmul.f32 $8.000000000e+00, v2  }
.Ltmp8:
0x283: {  	s0 =	sshll.u32 s0, $0xE;
	[tilespmem:s1+$0xFFFFFFD0] =	vst v1;
	v62 =	vmul.f32 $8.000000000e+00, v3;
	(pc) =	sbr.rel @p0 .LBB2_2-.Ltmp8, $4  }
0x284: {  	s0 =	sadd.s32 s6, s0;
	v63 =	vmul.f32 $8.000000000e+00, v4;
	[tilespmem:s1+$0xFFFFFFE0] =	vst v61  }
0x285: {  	s0 =	sshrl.u32 s0, $0x3;
	[tilespmem:s1+$0xFFFFFFF0] =	vst v62  }
0x286: {  	s0 =	sadd.s32 s2, s0;
	[tilespmem:s1+$0xFFFFFE10] =	vst v63  }
0x287: {  	[hbm4b:s0+s3] =	stream.linear.scatter [tilespmem:s20], [sflag:$0x8], $0x4000, $0x38;
	[tilespmem:$0x16400] =	vst v63  }
0x288: {  	s30 =	sadd.s32 $0x1, s30  }
0x289: {  	_ =	swait.ge [sflag:s28], $0x4000;
	p0 =	sne.s32 s30, s7  }
.Ltmp9:
0x28a: {  	[sflag:s28] =	ssyncset.done $0x0;
	(pc) =	sbr.rel @p0 .LBB2_1-.Ltmp9, $4  }
0x28b: {  	[sflag:s28] =	ssyncadd.s32 $0xFFFFC000  }
0x28c: {  	_ =	swait.ge [sflag:s29], $0x4000  }
0x28d: {  	[sflag:s29] =	ssyncset.done $0x0  }
0x28e: {  	[sflag:s29] =	ssyncadd.s32 $0xFFFFC000  }
0x28f: {  	_ =	sfence.sel $0x180000  }
0x290: {  	[bflag:$0x0] =	sbarrier.arrive $0xFFFF  }
0x291: {  	_ =	strace $0x90000047  }
0x292: {  	s0 =	stileid.u32;
	[bflag:$0x2] =	sbarrier.arrive $0xFFFF  }
0x293: {  	p0 =	sne.s32 s0, $0x0;
	s0 =	rddreg [dreg:$0x2]  }
0x294: {  	s0 =	sadd.s32 @!p0 $0x100000, s0  }
0x295: {  	[sflag:s0] =	ssyncadd.tile.s32 @!p0 $0x1;
	_ =	shalt  }
.Lfunc_end2:
_tile_overlayer_lowered:
.L_overlay_start_2:
0x296: {  	(tag) =	ssettag $0x2  }
0x297: {  	s0 =	rddreg [dreg:$0x0];
	s2 =	stileid.u32  }
0x298: {  	s1 =	rddreg [dreg:$0x1];
	p0 =	sne.s32 s2, $0x0  }
0x299: {  	s3 =	rddreg [dreg:$0x2];
	[bflag:$0x3] =	sbarrier.arrive $0xFFFF;
	s2 =	simm.s32 @!p0 $0x1C09  }
0x29a: {  	[timem:s3], [sflag:s2] =	dma.local @!p0 [hbm:s0], s1  }
0x29b: {  	s0 =	simm.s32 @!p0 $0x9  }
0x29c: {  	_ =	swait.ge @!p0 [sflag:s0], s1  }
0x29d: {  	s1 =	ssub.s32 @!p0 $0x0, s1;
	[sflag:s0] =	ssyncset.done @!p0 $0x0  }
0x29e: {  	[sflag:s0] =	ssyncadd.s32 @!p0 s1  }
0x29f: {  	[bflag:$0x3] =	sbarrier.arrive $0xFFFF  }
0x2a0: {  	_ =	shalt  }

// kernel: sparse-core-data-format-call.cloned.1.call-start
scs
called_computation_lowered:
.L_overlay_start_0:
0x0: {  	s2 =	sld [smem:$0x3FD9]  }
0x1: {  	s3 =	sld [smem:$0x3FFE];
	_ =	sdelay $0x1  }
0x2: {  	s1 =	srdreg.scid  }
0x3: {  	s0 =	sand.u32 $0x1, s1  }
0x4: {  	s18 =	sshll.u32 s0, $0xA;
	s2 =	sadd.s32 s3, s2  }
0x5: {  	s2 =	sadd.s32 s2, s18  }
0x6: {  	[smem:$0x3FC6] =	sst s2  }
0x7: {  	_ = 	snop  }
0x8: {  	s2 =	sld [smem:$0x3FD0];
	(tm) =	ssettm $0x1  }
0x9: {  	s19 =	sld [smem:$0x3FFB];
	_ =	sdelay $0x3  }
0xa: {  	_ =	strace s19  }
0xb: {  	s3 =	sld [smem:$0x3FFC];
	_ =	sdelay $0x3  }
0xc: {  	_ =	strace s3  }
0xd: {  	s3 =	sld [smem:$0x3FFD];
	_ =	sdelay $0x3  }
0xe: {  	_ =	strace s3  }
0xf: {  	_ =	strace $0x8FFFFFFF  }
0x10: {  	s20 =	sld [smem:$0x3FDB];
	_ =	sdelay $0x1  }
0x11: {  	s4 =	simm.s32 $_scs_section_size  }
0x12: {  	s5 =	simm.s32 $_size__tile_overlayer_lowered;
	s6 =	simm.s32 $_tile_overlayer_lowered  }
0x13: {  	s23 =	simm.s32 $0x1BFF;
	s22 =	sshll.u32 s6, $0x1;
	s3 =	sadd.s32 s4, s20  }
0x14: {  	s7 =	simm.s32 $0x0;
	s21 =	sshll.u32 s5, $0x1;
	s5 =	sadd.s32 s22, s3  }
0x15: {  	[timem:s7], [sflag:s23] =	dma.local [hbm:s5], s21  }
0x16: {  	_ =	swait.ge [sflag:s23], s21  }
0x17: {  	s4 =	ssub.s32 $0x0, s21;
	[sflag:s23] =	ssyncset.done $0x0  }
0x18: {  	[sflag:s23] =	ssyncadd.s32 s4;
	_ =	sdelay $0x1  }
0x19: {  	s24 =	simm.s32 $0x1B8B  }
0x1a: {  	_ =	swait.ge [sflag:s24], $0x1  }
0x1b: {  	[sflag:s24] =	ssyncset.done $0x0  }
0x1c: {  	s26 =	simm.s32 $0x1B8E;
	s25 =	sld [smem:$0x3FFE];
	[sflag:s24] =	ssyncadd.s32 $0xFFFFFFFF  }
0x1d: {  	s27 =	simm.s32 $execute0_lowered;
	[smem:$0x3FD2] =	sst s26  }
0x1e: {  	s5 =	sshll.u32 s27, $0x1;
	_ =	strace $0x80000049;
	[dreg:$0x1] =	wrdreg $0xFFFFFFFF  }
0x1f: {  	s28 =	simm.s32 $_size_execute0_lowered;
	s3 =	sadd.s32 s3, s5;
	[dreg:$0x0] =	wrdreg $0x0  }
0x20: {  	s5 =	sshll.u32 s28, $0x1;
	[dreg:$0x2] =	wrdreg s3  }
0x21: {  	[dreg:$0x3] =	wrdreg s5  }
0x22: {  	[dreg:$0x4] =	wrdreg $0xC0  }
0x23: {  	_ =	task [dreg:s7], $0x5FFFF  }
0x24: {  	[dreg:$0x1] =	wrdreg $0xFFFFFFFF  }
0x25: {  	[dreg:$0x0] =	wrdreg $0x60  }
0x26: {  	[dreg:$0x2] =	wrdreg s25  }
0x27: {  	[dreg:$0x3] =	wrdreg s2  }
0x28: {  	[dreg:$0x4] =	wrdreg $0x9  }
0x29: {  	_ =	task.clear_ibuf [dreg:s7], $0x5FFFF;
	_ =	strace $0x90000049  }
0x2a: {  	s29 =	simm.s32 $0x9;
	_ =	strace $0x8000004B  }
0x2b: {  	_ =	swait.ge [sflag:s29], $0x1  }
0x2c: {  	[sflag:s29] =	ssyncadd.s32 $0xFFFFFFFF  }
0x2d: {  	_ =	strace $0x9000004B  }
0x2e: {  	_ =	sfence  }
0x2f: {  	s30 =	sld [smem:$0x0];
	_ =	sdelay $0x2  }
0x30: {  	s31 =	sshll.u32 s1, $0xD;
	s1 =	sshrl.u32 s1, $0x2  }
0x31: {  	s3 =	sand.u32 $0x4000, s31;
	s1 =	sadd.s32 s1, s30  }
0x32: {  	s0 =	sor.u32 s3, s0;
	s1 =	sshll.u32 s1, $0x11  }
0x33: {  	s0 =	sor.u32 s1, s0  }
0x34: {  	s0 =	sadd.s32 $0x8F2B, s0  }
0x35: {  	[sflag:s0] =	ssyncadd.remote.s32 $0x1  }
0x36: {  	_ =	sfence.sel $0xFFFF  }
0x37: {  	[dreg:$0x0] =	wrdreg $0xFFFFFFFF;
	(pc) =	sbr.abs _section_cstart, $3  }
0x38: {  	[dreg:$0x1] =	wrdreg $0xFFFFFFFF  }
0x39: {  	_ =	task.clear_ibuf [dreg:s7], $0x2FFFF;
	_ =	strace $0x9FFFFFFF  }
0x3a: {  	(tm) =	ssettm $0x7FFFFFFF  }
0x3b: {  	_ =	shalt  }
tec
execute0_lowered:
.L_overlay_start_1:
0x0: {  	(tag) =	ssettag $0x1  }
0x1: {  	s0 =	srdreg.scid  }
0x2: {  	s1 =	sshll.u32 s0, $0x4  }
0x3: {  	s0 =	stileid.u32;
	s1 =	sand.u32 $0x10, s1  }
0x4: {  	s1 =	sor.u32 s0, s1  }
0x5: {  	s6 =	rddreg [dreg:$0x0];
	s4 =	simm.s32 $0x1;
	s2 =	sshll.u32 s1, $0x7  }
0x6: {  	s7 =	simm.s32 $0x2;
	s12 =	simm.s32 $0x0;
	s1 =	ssub.s32 $0x1000, s2  }
0x7: {  	s8 =	simm.s32 $0x8000;
	s13 =	simm.s32 $0x0;
	s3 =	sand.u32 $0xF80, s1  }
0x8: {  	s9 =	simm.s32 $0x0;
	s5 =	sshrl.u32 s1, $0xC;
	p0 =	sne.s32 s3, $0x0  }
.Ltmp0:
0x9: {  	s1 =	rddreg [dreg:$0x2];
	s4 =	simm.s32 @!p0 $0x0;
	(pc) =	sbr.rel .LBB1_1-.Ltmp0, $4  }
0xa: {  	s11 =	simm.s32 $0x0;
	s3 =	rddreg [dreg:$0x1];
	s5 =	sadd.s32 s4, s5  }
0xb: {  	_ =	strace $0x8000004A;
	s4 =	simm.s32 $0x1;
	s5 =	smul.u32 $0xC8, s5  }
0xc: {  	s6 =	sadd.s32 $0xA00, s6;
	s10 =	smov.u32 s2;
	[sflag:s4] =	ssyncpa.u1 $0x0  }
0xd: {  	p0 =	por $0x0, $0x0;
	[sflag:s7] =	ssyncpa.u1 $0x0;
	s7 =	sor.u32 $0x1, s5  }
.LBB1_4:
0xe: {  	s16 =	sshll.u32 s13, $0x3;
	s17 =	sand.u32 $0x78, s13  }
0xf: {  	s30 =	sand.u32 $0x7E00, s13;
	s12 =	sshll.u32 s12, $0xF;
	s16 =	sand.u32 $0xC00, s16  }
0x10: {  	[tilespmem:s15+$0x810 ss:$0x81] =	vst.msk $0xffff, v2;
	s31 =	sand.u32 $0x7, s13;
	s16 =	sor.u32 s17, s16;
	s17 =	sadd.s32 s3, s30  }
0x11: {  	[tilespmem:s15+$0x1020 ss:$0x81] =	vst.msk $0xffff, v0;
	s13 =	sshll.u32 s31, $0x12;
	s12 =	sadd.s32 s12, s17;
	s16 =	sshrl.u32 s16, $0x3  }
0x12: {  	[tilespmem:s15+$0x0 ss:$0x81] =	vst.msk $0xffff, v1;
	s13 =	sor.u32 $0x400, s13;
	s12 =	sadd.s32 s16, s12  }
0x13: {  	[hbm4b:s12+s13] =	stream.strided.scatter [tilespmem:s14], [sflag:$0x2], $0x2000, s8, s13, $0x20;
	[tilespmem:$0x8080] =	vst v63  }
.LBB1_5:
0x14: {  	s14 =	sadd.s32 $0x1, s9  }
0x15: {  	s12 =	sadd.s32 $0x1000, s10;
	s16 =	smov.u32 s10;
	p2 =	sgt.s32 s14, $0xC7  }
0x16: {  	s16 =	smov.u32 @p2 s12  }
0x17: {  	s14 =	simm.s32 @p2 $0x0;
	p2 =	sgt.s32 s16, $0xFFF  }
0x18: {  	s16 =	smov.u32 @p2 s2;
	p2 =	sne.s32 s11, s7  }
.Ltmp1:
0x19: {  	p1 =	slt.u32 s11, $0x2;
	(pc) =	sbr.rel @!p2 .LBB1_6-.Ltmp1, $4  }
0x1a: {  	s15 =	simm.s32 @!p1 $0x2  }
0x1b: {  	s13 =	smov.u32 s10;
	p0 =	por !p0, !p0;
	_ =	swait.ge @!p1 [sflag:s15], $0x2000  }
0x1c: {  	s12 =	smov.u32 s9;
	[sflag:s15] =	ssyncset.done @!p1 $0x0;
	s9 =	smov.u32 s14  }
0x1d: {  	s11 =	sadd.s32 $0x1, s11;
	[sflag:s15] =	ssyncadd.s32 @!p1 $0xFFFFE000;
	s10 =	smov.u32 s16  }
.LBB1_1:
0x1e: {  	p1 =	sge.u32 s11, s5  }
0x1f: {  	s14 =	sand.u32 @!p1 $0x1FFFFFF, s9  }
0x20: {  	s15 =	smulhi.u32 @!p1 $0x147AE15, s14;
	_ =	sdelay $0x1  }
0x21: {  	s15 =	smul.u32 @!p1 $0xC8, s15  }
0x22: {  	s16 =	sxor.u32 @!p1 $0xFFFFFFFF, s11;
	s17 =	smul.u32 @!p1 $0xC80, s10  }
0x23: {  	s31 =	sadd.s32 $0xFFFFFFFF, s11;
	s16 =	sshll.u32 @!p1 s16, $0xD;
	s14 =	ssub.s32 @!p1 s14, s15  }
0x24: {  	s15 =	sand.u32 @!p1 $0x2000, s16;
	s16 =	sadd.s32 @!p1 s6, s17;
	s14 =	sshll.u32 @!p1 s14, $0x4  }
0x25: {  	s17 =	simm.s32 @!p1 $0x6400;
	s14 =	sadd.s32 @!p1 s14, s16;
	s16 =	simm.s32 @!p1 $0x40  }
0x26: {  	[tilespmem:s15], [sflag:$0x1] =	stream.strided.gather @!p1 [hbm4b:s14+s16], $0x2000, s17, s16, $0x38;
	[tilespmem:$0x8080] =	vst v63  }
0x27: {  	p1 =	sge.u32 s31, s5  }
.Ltmp2:
0x28: {  	_ = 	snop;
	(pc) =	sbr.rel @p1 .LBB1_5-.Ltmp2, $1  }
0x29: {  	_ =	sdelay $0x3  }
0x2a: {  	s14 =	simm.s32 $0x1  }
0x2b: {  	_ =	swait.ge [sflag:s4], $0x2000;
	s14 =	simm.s32 @!p0 $0x0  }
0x2c: {  	[sflag:s4] =	ssyncset.done $0x0;
	s15 =	sshll.u32 s14, $0xD  }
0x2d: {  	[sflag:s4] =	ssyncadd.s32 $0xFFFFE000;
	s18 =	sor.u32 $0x20, s15  }
0x2e: {  	s14 =	smul.u32 $0x8100, s14;
	v3 =	vld [tilespmem:s18+$0x10]  }
0x2f: {  	s30 =	sand.u32 $0x1, s11;
	v2 =	vld [tilespmem:s18+$0xFFFFFFF0]  }
0x30: {  	s15 =	smul.u32 $0x8100, s30;
	s14 =	sshrl.u32 s14, $0x2;
	v0 =	vld [tilespmem:s18+$0x0]  }
0x31: {  	v1 =	vld [tilespmem:s18+$0xFFFFFFE0];
	s16 =	sor.u32 $0x4000, s14  }
0x32: {  	s31 =	sshrl.u32 s15, $0x2;
	s15 =	sadd.s32 $0x0, s16  }
0x33: {  	s17 =	simm.s32 $0x4;
	s18 =	sadd.s32 $0x40, s18;
	s14 =	sor.u32 $0x4000, s31;
	[tilespmem:s15+$0x1830 ss:$0x81] =	vst.msk $0xffff, v3  }
.LBB1_3:
0x34: {  	v3 =	vld [tilespmem:s18+$0x10];
	p1 =	sne.s32 s17, $0x1FC;
	[tilespmem:s15+$0x810 ss:$0x81] =	vst.msk $0xffff, v2;
	s19 =	smov.u32 s17;
	s17 =	sadd.s32 $0x4, s17  }
.Ltmp3:
0x35: {  	v2 =	vld [tilespmem:s18+$0xFFFFFFF0];
	[tilespmem:s15+$0x1020 ss:$0x81] =	vst.msk $0xffff, v0;
	(pc) =	sbr.rel @p1 .LBB1_3-.Ltmp3, $4  }
0x36: {  	v0 =	vld [tilespmem:s18+$0x0];
	[tilespmem:s15+$0x0 ss:$0x81] =	vst.msk $0xffff, v1  }
0x37: {  	s15 =	sshra.s32 s19, $0x2;
	v1 =	vld [tilespmem:s18+$0xFFFFFFE0]  }
0x38: {  	s15 =	sadd.s32 s15, s16  }
0x39: {  	s18 =	sadd.s32 $0x40, s18;
	[tilespmem:s15+$0x1830 ss:$0x81] =	vst.msk $0xffff, v3  }
.Ltmp4:
0x3a: {  	_ = 	snop;
	(pc) =	sbr.rel .LBB1_4-.Ltmp4, $1  }
0x3b: {  	_ =	sdelay $0x3  }
.LBB1_6:
0x3c: {  	_ =	sfence.sel $0x180000  }
0x3d: {  	s2 =	simm.s32 $0x1;
	[bflag:$0x0] =	sbarrier.arrive $0xFFFF  }
0x3e: {  	s31 =	simm.s32 $0x2;
	[sflag:s2] =	ssyncpa.u1 $0x1  }
0x3f: {  	[sflag:s31] =	ssyncpa.u1 $0x1  }
0x40: {  	p0 =	sne.s32 s0, $0x0;
	_ =	strace $0x9000004A  }
0x41: {  	s0 =	sadd.s32 @!p0 $0x100000, s1;
	[bflag:$0x2] =	sbarrier.arrive $0xFFFF  }
0x42: {  	[sflag:s0] =	ssyncadd.tile.s32 @!p0 $0x1;
	_ =	shalt  }
.Lfunc_end1:
_tile_overlayer_lowered:
.L_overlay_start_2:
0x43: {  	(tag) =	ssettag $0x2  }
0x44: {  	s0 =	rddreg [dreg:$0x0];
	s2 =	stileid.u32  }
0x45: {  	s1 =	rddreg [dreg:$0x1];
	p0 =	sne.s32 s2, $0x0  }
0x46: {  	s3 =	rddreg [dreg:$0x2];
	[bflag:$0x3] =	sbarrier.arrive $0xFFFF;
	s2 =	simm.s32 @!p0 $0x1C01  }
0x47: {  	[timem:s3], [sflag:s2] =	dma.local @!p0 [hbm:s0], s1  }
0x48: {  	s0 =	simm.s32 @!p0 $0x1  }
0x49: {  	_ =	swait.ge @!p0 [sflag:s0], s1  }
0x4a: {  	s1 =	ssub.s32 @!p0 $0x0, s1;
	[sflag:s0] =	ssyncset.done @!p0 $0x0  }
0x4b: {  	[sflag:s0] =	ssyncadd.s32 @!p0 s1  }
0x4c: {  	[bflag:$0x3] =	sbarrier.arrive $0xFFFF  }
0x4d: {  	_ =	shalt  }

</sc_bundles>
